<compile_context>
chip_gen: v7x
topology: tpu7x:2x2x1
jax: 0.10.2.dev20260603
libtpu: 0.0.44.dev20260713+nightly
codegen_flags: <defaults>
</compile_context>

<pallas_src>
import functools

import jax
import jax.numpy as jnp
from jax import lax
from jax.experimental import pallas as pl
from jax.experimental.pallas import tpu as pltpu
from jax.experimental.pallas import tpu_sc as plsc

_B, _T, _D = 4096, 200, 64
_CTOK = 2 * _T
_SUBCH = ((0, 128), (128, 128), (256, 72), (328, 72))


@functools.cache
def _build_kernels():
    info = plsc.get_sparse_core_info()
    nc, ns = info.num_cores, info.num_subcores
    nw = nc * ns
    mesh = plsc.VectorSubcoreMesh(core_axis_name="c", subcore_axis_name="s")

    @functools.partial(
        pl.kernel,
        mesh=mesh,
        compiler_params=pltpu.CompilerParams(use_tc_tiling_on_sc=False),
        out_type=jax.ShapeDtypeStruct((_B * _T, 128), jnp.float32),
        scratch_types=[
            pltpu.VMEM((_B * _T // nw,), jnp.int32),
            pltpu.VMEM((_T, _D), jnp.float32),
            pltpu.VMEM((_CTOK, _D), jnp.float32),
            pltpu.VMEM((_CTOK, _D), jnp.float32),
            pltpu.SemaphoreType.DMA,
            pltpu.SemaphoreType.DMA,
            pltpu.SemaphoreType.DMA,
            pltpu.SemaphoreType.DMA,
        ],
    )
    def lookup(codes_hbm, emb_hbm, pos_hbm, out_hbm, idx_v, pos_v, buf0, buf1,
               g0, g1, s0, s1):
        tok_per_w = _B * _T // nw
        n_chunks = tok_per_w // _CTOK
        wid = lax.axis_index("s") * nc + lax.axis_index("c")
        tok_base = pl.multiple_of(wid * tok_per_w, 8)
        pltpu.sync_copy(codes_hbm.at[pl.ds(tok_base, tok_per_w)], idx_v)
        pltpu.sync_copy(pos_hbm, pos_v)

        def gfire(c, buf, sem):
            off = c * _CTOK
            for o, n in _SUBCH:
                pltpu.async_copy(
                    emb_hbm.at[idx_v.at[pl.ds(off + o, n)]],
                    buf.at[pl.ds(o, n)], sem)

        def gwait(c, buf, sem):
            off = c * _CTOK
            for o, n in _SUBCH:
                pltpu.make_async_copy(
                    emb_hbm.at[idx_v.at[pl.ds(off + o, n)]],
                    buf.at[pl.ds(o, n)], sem).wait()

        def sfire(c, buf, sem):
            pltpu.async_copy(
                buf,
                out_hbm.at[pl.ds(tok_base + c * _CTOK, _CTOK), pl.ds(0, _D)],
                sem)

        def swait(c, buf, sem):
            pltpu.make_async_copy(
                buf,
                out_hbm.at[pl.ds(tok_base + c * _CTOK, _CTOK), pl.ds(0, _D)],
                sem).wait()

        def add_chunk(buf):
            def tloop(t, carry):
                for dt in range(2):
                    tt = t * 2 + dt
                    for j in range(_D // 16):
                        sl = pl.ds(j * 16, 16)
                        pv = pos_v[tt, sl]
                        buf[tt, sl] = buf[tt, sl] + pv
                        buf[_T + tt, sl] = buf[_T + tt, sl] + pv
                return carry
            lax.fori_loop(0, _T // 2, tloop, 0)

        gfire(0, buf0, g0)

        def super_body(i, carry):
            c0 = 2 * i
            c1 = 2 * i + 1

            @pl.when(i >= 1)
            def _():
                swait(c0 - 1, buf1, s1)

            gfire(c1, buf1, g1)
            gwait(c0, buf0, g0)
            add_chunk(buf0)
            sfire(c0, buf0, s0)
            gwait(c1, buf1, g1)
            add_chunk(buf1)
            sfire(c1, buf1, s1)

            @pl.when(i < n_chunks // 2 - 1)
            def _():
                swait(c0, buf0, s0)
                gfire(c0 + 2, buf0, g0)

            return carry

        lax.fori_loop(0, n_chunks // 2, super_body, 0)
        swait(n_chunks - 2, buf0, s0)
        swait(n_chunks - 1, buf1, s1)

    return lookup


def kernel(motion_codes, motion_pad_mask, emb_weight, pos_weight):
    lookup = _build_kernels()
    codes = motion_codes.reshape(-1).astype(jnp.int32)
    out2 = lookup(codes, emb_weight, pos_weight)
    x = out2.reshape(_B, _T, 128)[:, :, :_D]
    return x, motion_pad_mask

# --- scband reference (transcript-rebuilt; emitter-appended) ---
"""Pipeline reference for scband-motion-token-processor-43001212567763 (READ-ONLY COPY).

The authoritative reference and input builder live on the scoring server;
editing this copy changes nothing except your own understanding.
"""

import jax, jax.numpy as jnp
import numpy as np

VOCAB = 1000000
D_MODEL = 64
MAX_LEN = 200
B = 4096
T = 200

def setup_inputs(seed: int = 0) -> dict:
    key = jax.random.key(seed)
    k1, k2, k3 = jax.random.split(key, 3)
    motion_codes = jax.random.randint(k1, (B, T), 0, VOCAB, dtype=jnp.int64 if jax.config.jax_enable_x64 else jnp.int32)
    motion_pad_mask = jnp.zeros((B, T), dtype=jnp.bool_)
    emb_weight = jax.random.normal(k2, (VOCAB, D_MODEL), dtype=jnp.float32) * 0.02
    pos_weight = jax.random.normal(k3, (MAX_LEN, D_MODEL), dtype=jnp.float32)
    return {"motion_codes": motion_codes, "motion_pad_mask": motion_pad_mask,
            "emb_weight": emb_weight, "pos_weight": pos_weight}

def reference(motion_codes, motion_pad_mask, emb_weight, pos_weight):
    Bc, Tc = motion_codes.shape
    x = jnp.take(emb_weight, motion_codes, axis=0)
    pos = jnp.arange(Tc)[None, :]
    x = x + jnp.take(pos_weight, pos, axis=0)
    return (x, motion_pad_mask)

if __name__ == "__main__":
    import jax
    _d = setup_inputs()
    print(jax.jit(kernel)(*tuple(_d.values())))

</pallas_src>

<mosaic_0001>
#map = affine_map<(d0, d1) -> (0)>
#map1 = affine_map<(d0, d1) -> (0, 0)>
module attributes {stable_mosaic.version = 14 : i64} {
  func.func @lookup(%arg0: i32, %arg1: i32, %arg2: memref<819200xi32, #tpu.memory_space<hbm>>, %arg3: memref<1000000x64xf32, #tpu.memory_space<hbm>>, %arg4: memref<200x64xf32, #tpu.memory_space<hbm>>, %arg5: memref<819200x128xf32, #tpu.memory_space<hbm>>, %arg6: memref<25600xi32, #tpu.memory_space<vmem>>, %arg7: memref<200x64xf32, #tpu.memory_space<vmem>>, %arg8: memref<400x64xf32, #tpu.memory_space<vmem>>, %arg9: memref<400x64xf32, #tpu.memory_space<vmem>>, %arg10: memref<!tpu.dma_semaphore, #tpu.memory_space<semaphore_mem>>, %arg11: memref<!tpu.dma_semaphore, #tpu.memory_space<semaphore_mem>>, %arg12: memref<!tpu.dma_semaphore, #tpu.memory_space<semaphore_mem>>, %arg13: memref<!tpu.dma_semaphore, #tpu.memory_space<semaphore_mem>>) attributes {dimension_semantics = [#tpu.dimension_semantics<core_parallel>, #tpu.dimension_semantics<subcore_parallel>], iteration_bounds = array<i64: 2, 16>, scalar_prefetch = 0 : i64, scratch_operands = 8 : i64, tpu.core_type = #tpu.core_type<sc_vector_subcore>, window_params = [{transform_indices = #map}, {transform_indices = #map1}, {transform_indices = #map1}, {transform_indices = #map1}]} {
    %mul3A = arith.constant 2 : i32
    %mul3A_0 = arith.muli %arg1, %mul3A : i32
    %add3A = arith.addi %mul3A_0, %arg0 : i32
    %mul3A_1 = arith.constant 25600 : i32
    %mul3A_2 = arith.muli %add3A, %mul3A_1 : i32
    %multiple_of3A = tpu.assume_multiple %mul3A_2, 8 : i32
    "tpu.region"() ({
      %run_scoped3A = tpu.sem_alloc : memref<!tpu.dma_semaphore, #tpu.memory_space<semaphore_mem>>
      %dma_start3A_50 = tpu.memref_slice %arg2[%multiple_of3A] : memref<819200xi32, #tpu.memory_space<hbm>> -> memref<25600xi32, #tpu.memory_space<hbm>>
      %dma_start3A_51 = tpu.memref_slice %arg2[%multiple_of3A] : memref<819200xi32, #tpu.memory_space<hbm>> -> memref<25600xi32, #tpu.memory_space<hbm>>
      tpu.enqueue_dma source(%dma_start3A_51 : memref<25600xi32, #tpu.memory_space<hbm>>) target(%arg6 : memref<25600xi32, #tpu.memory_space<vmem>>) target_semaphore(%run_scoped3A : memref<!tpu.dma_semaphore, #tpu.memory_space<semaphore_mem>>)
      %dma_wait3A_52 = tpu.memref_slice %arg2[%multiple_of3A] : memref<819200xi32, #tpu.memory_space<hbm>> -> memref<25600xi32, #tpu.memory_space<hbm>>
      %dma_wait3A_53 = tpu.memref_slice %arg2[%multiple_of3A] : memref<819200xi32, #tpu.memory_space<hbm>> -> memref<25600xi32, #tpu.memory_space<hbm>>
      tpu.wait_dma2 semaphore(%run_scoped3A : memref<!tpu.dma_semaphore, #tpu.memory_space<semaphore_mem>>) src(%dma_wait3A_53 : memref<25600xi32, #tpu.memory_space<hbm>>) dst(%arg6 : memref<25600xi32, #tpu.memory_space<vmem>>)
      tpu.yield
    }) : () -> ()
    "tpu.region"() ({
      %run_scoped3A = tpu.sem_alloc : memref<!tpu.dma_semaphore, #tpu.memory_space<semaphore_mem>>
      tpu.enqueue_dma source(%arg4 : memref<200x64xf32, #tpu.memory_space<hbm>>) target(%arg7 : memref<200x64xf32, #tpu.memory_space<vmem>>) target_semaphore(%run_scoped3A : memref<!tpu.dma_semaphore, #tpu.memory_space<semaphore_mem>>)
      tpu.wait_dma2 semaphore(%run_scoped3A : memref<!tpu.dma_semaphore, #tpu.memory_space<semaphore_mem>>) src(%arg4 : memref<200x64xf32, #tpu.memory_space<hbm>>) dst(%arg7 : memref<200x64xf32, #tpu.memory_space<vmem>>)
      tpu.yield
    }) : () -> ()
    %dma_start3A = arith.constant 0 : i32
    %dma_start3A_3 = arith.constant 0 : i32
    %dma_start3A_4 = tpu.memref_slice %arg8[%dma_start3A, %dma_start3A_3] : memref<400x64xf32, #tpu.memory_space<vmem>> -> memref<128x64xf32, #tpu.memory_space<vmem>>
    %dma_start3A_5 = arith.constant 0 : i32
    %dma_start3A_6 = tpu.memref_slice %arg6[%dma_start3A_5] : memref<25600xi32, #tpu.memory_space<vmem>> -> memref<128xi32, #tpu.memory_space<vmem>>
    %dma_start3A_7 = arith.constant 0 : i32
    %dma_start3A_8 = arith.constant 0 : i32
    %dma_start3A_9 = tpu.memref_slice %arg3[%dma_start3A_7, %dma_start3A_8] : memref<1000000x64xf32, #tpu.memory_space<hbm>> -> memref<1000000x64xf32, #tpu.memory_space<hbm>>
    tpu.enqueue_indirect_dma source(%dma_start3A_9 : memref<1000000x64xf32, #tpu.memory_space<hbm>>) target(%dma_start3A_4 : memref<128x64xf32, #tpu.memory_space<vmem>>) offsets(%dma_start3A_6 : memref<128xi32, #tpu.memory_space<vmem>>) semaphore(%arg10 : memref<!tpu.dma_semaphore, #tpu.memory_space<semaphore_mem>>)
    %dma_start3A_10 = arith.constant 128 : i32
    %dma_start3A_11 = arith.constant 0 : i32
    %dma_start3A_12 = tpu.memref_slice %arg8[%dma_start3A_10, %dma_start3A_11] : memref<400x64xf32, #tpu.memory_space<vmem>> -> memref<128x64xf32, #tpu.memory_space<vmem>>
    %dma_start3A_13 = arith.constant 128 : i32
    %dma_start3A_14 = tpu.memref_slice %arg6[%dma_start3A_13] : memref<25600xi32, #tpu.memory_space<vmem>> -> memref<128xi32, #tpu.memory_space<vmem>>
    %dma_start3A_15 = arith.constant 0 : i32
    %dma_start3A_16 = arith.constant 0 : i32
    %dma_start3A_17 = tpu.memref_slice %arg3[%dma_start3A_15, %dma_start3A_16] : memref<1000000x64xf32, #tpu.memory_space<hbm>> -> memref<1000000x64xf32, #tpu.memory_space<hbm>>
    tpu.enqueue_indirect_dma source(%dma_start3A_17 : memref<1000000x64xf32, #tpu.memory_space<hbm>>) target(%dma_start3A_12 : memref<128x64xf32, #tpu.memory_space<vmem>>) offsets(%dma_start3A_14 : memref<128xi32, #tpu.memory_space<vmem>>) semaphore(%arg10 : memref<!tpu.dma_semaphore, #tpu.memory_space<semaphore_mem>>)
    %dma_start3A_18 = arith.constant 256 : i32
    %dma_start3A_19 = arith.constant 0 : i32
    %dma_start3A_20 = tpu.memref_slice %arg8[%dma_start3A_18, %dma_start3A_19] : memref<400x64xf32, #tpu.memory_space<vmem>> -> memref<72x64xf32, #tpu.memory_space<vmem>>
    %dma_start3A_21 = arith.constant 256 : i32
    %dma_start3A_22 = tpu.memref_slice %arg6[%dma_start3A_21] : memref<25600xi32, #tpu.memory_space<vmem>> -> memref<72xi32, #tpu.memory_space<vmem>>
    %dma_start3A_23 = arith.constant 0 : i32
    %dma_start3A_24 = arith.constant 0 : i32
    %dma_start3A_25 = tpu.memref_slice %arg3[%dma_start3A_23, %dma_start3A_24] : memref<1000000x64xf32, #tpu.memory_space<hbm>> -> memref<1000000x64xf32, #tpu.memory_space<hbm>>
    tpu.enqueue_indirect_dma source(%dma_start3A_25 : memref<1000000x64xf32, #tpu.memory_space<hbm>>) target(%dma_start3A_20 : memref<72x64xf32, #tpu.memory_space<vmem>>) offsets(%dma_start3A_22 : memref<72xi32, #tpu.memory_space<vmem>>) semaphore(%arg10 : memref<!tpu.dma_semaphore, #tpu.memory_space<semaphore_mem>>)
    %dma_start3A_26 = arith.constant 328 : i32
    %dma_start3A_27 = arith.constant 0 : i32
    %dma_start3A_28 = tpu.memref_slice %arg8[%dma_start3A_26, %dma_start3A_27] : memref<400x64xf32, #tpu.memory_space<vmem>> -> memref<72x64xf32, #tpu.memory_space<vmem>>
    %dma_start3A_29 = arith.constant 328 : i32
    %dma_start3A_30 = tpu.memref_slice %arg6[%dma_start3A_29] : memref<25600xi32, #tpu.memory_space<vmem>> -> memref<72xi32, #tpu.memory_space<vmem>>
    %dma_start3A_31 = arith.constant 0 : i32
    %dma_start3A_32 = arith.constant 0 : i32
    %dma_start3A_33 = tpu.memref_slice %arg3[%dma_start3A_31, %dma_start3A_32] : memref<1000000x64xf32, #tpu.memory_space<hbm>> -> memref<1000000x64xf32, #tpu.memory_space<hbm>>
    tpu.enqueue_indirect_dma source(%dma_start3A_33 : memref<1000000x64xf32, #tpu.memory_space<hbm>>) target(%dma_start3A_28 : memref<72x64xf32, #tpu.memory_space<vmem>>) offsets(%dma_start3A_30 : memref<72xi32, #tpu.memory_space<vmem>>) semaphore(%arg10 : memref<!tpu.dma_semaphore, #tpu.memory_space<semaphore_mem>>)
    %scan3A = arith.constant 0 : i32
    %scan3A_34 = arith.constant 0 : i32
    %scan3A_35 = arith.constant 32 : i32
    %scan3A_36 = arith.addi %scan3A_34, %scan3A_35 : i32
    %scan3A_37 = arith.constant 1 : i32
    scf.for %scan3A_50 = %scan3A_34 to %scan3A_36 step %scan3A_37  : i32 {
      %mul3A_51 = arith.constant 2 : i32
      %mul3A_52 = arith.muli %mul3A_51, %scan3A_50 : i32
      %mul3A_53 = arith.constant 2 : i32
      %mul3A_54 = arith.muli %mul3A_53, %scan3A_50 : i32
      %add3A_55 = arith.constant 1 : i32
      %add3A_56 = arith.addi %mul3A_54, %add3A_55 : i32
      %ge3A = arith.constant 1 : i32
      %ge3A_57 = arith.cmpi sge, %scan3A_50, %ge3A : i32
      %convert_element_type3A = arith.extui %ge3A_57 : i1 to i32
      %cond3A = arith.constant 0 : i32
      %cond3A_58 = arith.cmpi ne, %convert_element_type3A, %cond3A : i32
      scf.if %cond3A_58 {
        %sub3A = arith.constant 1 : i32
        %sub3A_203 = arith.subi %mul3A_52, %sub3A : i32
        %mul3A_204 = arith.constant 400 : i32
        %mul3A_205 = arith.muli %sub3A_203, %mul3A_204 : i32
        %add3A_206 = arith.addi %multiple_of3A, %mul3A_205 : i32
        %dma_wait3A_207 = arith.constant 0 : i32
        %dma_wait3A_208 = tpu.memref_slice %arg5[%add3A_206, %dma_wait3A_207] : memref<819200x128xf32, #tpu.memory_space<hbm>> -> memref<400x64xf32, #tpu.memory_space<hbm>>
        %dma_wait3A_209 = arith.constant 0 : i32
        %dma_wait3A_210 = tpu.memref_slice %arg5[%add3A_206, %dma_wait3A_209] : memref<819200x128xf32, #tpu.memory_space<hbm>> -> memref<400x64xf32, #tpu.memory_space<hbm>>
        tpu.wait_dma2 semaphore(%arg13 : memref<!tpu.dma_semaphore, #tpu.memory_space<semaphore_mem>>) src(%arg9 : memref<400x64xf32, #tpu.memory_space<vmem>>) dst(%dma_wait3A_210 : memref<400x64xf32, #tpu.memory_space<hbm>>)
      } else {
      }
      %mul3A_59 = arith.constant 400 : i32
      %mul3A_60 = arith.muli %add3A_56, %mul3A_59 : i32
      %add3A_61 = arith.constant 0 : i32
      %add3A_62 = arith.addi %mul3A_60, %add3A_61 : i32
      %dma_start3A_63 = arith.constant 0 : i32
      %dma_start3A_64 = arith.constant 0 : i32
      %dma_start3A_65 = tpu.memref_slice %arg9[%dma_start3A_63, %dma_start3A_64] : memref<400x64xf32, #tpu.memory_space<vmem>> -> memref<128x64xf32, #tpu.memory_space<vmem>>
      %dma_start3A_66 = tpu.memref_slice %arg6[%add3A_62] : memref<25600xi32, #tpu.memory_space<vmem>> -> memref<128xi32, #tpu.memory_space<vmem>>
      %dma_start3A_67 = arith.constant 0 : i32
      %dma_start3A_68 = arith.constant 0 : i32
      %dma_start3A_69 = tpu.memref_slice %arg3[%dma_start3A_67, %dma_start3A_68] : memref<1000000x64xf32, #tpu.memory_space<hbm>> -> memref<1000000x64xf32, #tpu.memory_space<hbm>>
      tpu.enqueue_indirect_dma source(%dma_start3A_69 : memref<1000000x64xf32, #tpu.memory_space<hbm>>) target(%dma_start3A_65 : memref<128x64xf32, #tpu.memory_space<vmem>>) offsets(%dma_start3A_66 : memref<128xi32, #tpu.memory_space<vmem>>) semaphore(%arg11 : memref<!tpu.dma_semaphore, #tpu.memory_space<semaphore_mem>>)
      %add3A_70 = arith.constant 128 : i32
      %add3A_71 = arith.addi %mul3A_60, %add3A_70 : i32
      %dma_start3A_72 = arith.constant 128 : i32
      %dma_start3A_73 = arith.constant 0 : i32
      %dma_start3A_74 = tpu.memref_slice %arg9[%dma_start3A_72, %dma_start3A_73] : memref<400x64xf32, #tpu.memory_space<vmem>> -> memref<128x64xf32, #tpu.memory_space<vmem>>
      %dma_start3A_75 = tpu.memref_slice %arg6[%add3A_71] : memref<25600xi32, #tpu.memory_space<vmem>> -> memref<128xi32, #tpu.memory_space<vmem>>
      %dma_start3A_76 = arith.constant 0 : i32
      %dma_start3A_77 = arith.constant 0 : i32
      %dma_start3A_78 = tpu.memref_slice %arg3[%dma_start3A_76, %dma_start3A_77] : memref<1000000x64xf32, #tpu.memory_space<hbm>> -> memref<1000000x64xf32, #tpu.memory_space<hbm>>
      tpu.enqueue_indirect_dma source(%dma_start3A_78 : memref<1000000x64xf32, #tpu.memory_space<hbm>>) target(%dma_start3A_74 : memref<128x64xf32, #tpu.memory_space<vmem>>) offsets(%dma_start3A_75 : memref<128xi32, #tpu.memory_space<vmem>>) semaphore(%arg11 : memref<!tpu.dma_semaphore, #tpu.memory_space<semaphore_mem>>)
      %add3A_79 = arith.constant 256 : i32
      %add3A_80 = arith.addi %mul3A_60, %add3A_79 : i32
      %dma_start3A_81 = arith.constant 256 : i32
      %dma_start3A_82 = arith.constant 0 : i32
      %dma_start3A_83 = tpu.memref_slice %arg9[%dma_start3A_81, %dma_start3A_82] : memref<400x64xf32, #tpu.memory_space<vmem>> -> memref<72x64xf32, #tpu.memory_space<vmem>>
      %dma_start3A_84 = tpu.memref_slice %arg6[%add3A_80] : memref<25600xi32, #tpu.memory_space<vmem>> -> memref<72xi32, #tpu.memory_space<vmem>>
      %dma_start3A_85 = arith.constant 0 : i32
      %dma_start3A_86 = arith.constant 0 : i32
      %dma_start3A_87 = tpu.memref_slice %arg3[%dma_start3A_85, %dma_start3A_86] : memref<1000000x64xf32, #tpu.memory_space<hbm>> -> memref<1000000x64xf32, #tpu.memory_space<hbm>>
      tpu.enqueue_indirect_dma source(%dma_start3A_87 : memref<1000000x64xf32, #tpu.memory_space<hbm>>) target(%dma_start3A_83 : memref<72x64xf32, #tpu.memory_space<vmem>>) offsets(%dma_start3A_84 : memref<72xi32, #tpu.memory_space<vmem>>) semaphore(%arg11 : memref<!tpu.dma_semaphore, #tpu.memory_space<semaphore_mem>>)
      %add3A_88 = arith.constant 328 : i32
      %add3A_89 = arith.addi %mul3A_60, %add3A_88 : i32
      %dma_start3A_90 = arith.constant 328 : i32
      %dma_start3A_91 = arith.constant 0 : i32
      %dma_start3A_92 = tpu.memref_slice %arg9[%dma_start3A_90, %dma_start3A_91] : memref<400x64xf32, #tpu.memory_space<vmem>> -> memref<72x64xf32, #tpu.memory_space<vmem>>
      %dma_start3A_93 = tpu.memref_slice %arg6[%add3A_89] : memref<25600xi32, #tpu.memory_space<vmem>> -> memref<72xi32, #tpu.memory_space<vmem>>
      %dma_start3A_94 = arith.constant 0 : i32
      %dma_start3A_95 = arith.constant 0 : i32
      %dma_start3A_96 = tpu.memref_slice %arg3[%dma_start3A_94, %dma_start3A_95] : memref<1000000x64xf32, #tpu.memory_space<hbm>> -> memref<1000000x64xf32, #tpu.memory_space<hbm>>
      tpu.enqueue_indirect_dma source(%dma_start3A_96 : memref<1000000x64xf32, #tpu.memory_space<hbm>>) target(%dma_start3A_92 : memref<72x64xf32, #tpu.memory_space<vmem>>) offsets(%dma_start3A_93 : memref<72xi32, #tpu.memory_space<vmem>>) semaphore(%arg11 : memref<!tpu.dma_semaphore, #tpu.memory_space<semaphore_mem>>)
      %mul3A_97 = arith.constant 400 : i32
      %mul3A_98 = arith.muli %mul3A_52, %mul3A_97 : i32
      %add3A_99 = arith.constant 0 : i32
      %add3A_100 = arith.addi %mul3A_98, %add3A_99 : i32
      %dma_wait3A_101 = arith.constant 0 : i32
      %dma_wait3A_102 = arith.constant 0 : i32
      %dma_wait3A_103 = tpu.memref_slice %arg8[%dma_wait3A_101, %dma_wait3A_102] : memref<400x64xf32, #tpu.memory_space<vmem>> -> memref<128x64xf32, #tpu.memory_space<vmem>>
      %dma_wait3A_104 = tpu.memref_slice %arg6[%add3A_100] : memref<25600xi32, #tpu.memory_space<vmem>> -> memref<128xi32, #tpu.memory_space<vmem>>
      %dma_wait3A_105 = arith.constant 0 : i32
      %dma_wait3A_106 = arith.constant 0 : i32
      %dma_wait3A_107 = tpu.memref_slice %arg3[%dma_wait3A_105, %dma_wait3A_106] : memref<1000000x64xf32, #tpu.memory_space<hbm>> -> memref<1000000x64xf32, #tpu.memory_space<hbm>>
      tpu.wait_indirect_dma semaphore(%arg10 : memref<!tpu.dma_semaphore, #tpu.memory_space<semaphore_mem>>) src(%dma_wait3A_107 : memref<1000000x64xf32, #tpu.memory_space<hbm>>) dst(%dma_wait3A_103 : memref<128x64xf32, #tpu.memory_space<vmem>>)
      %add3A_108 = arith.constant 128 : i32
      %add3A_109 = arith.addi %mul3A_98, %add3A_108 : i32
      %dma_wait3A_110 = arith.constant 128 : i32
      %dma_wait3A_111 = arith.constant 0 : i32
      %dma_wait3A_112 = tpu.memref_slice %arg8[%dma_wait3A_110, %dma_wait3A_111] : memref<400x64xf32, #tpu.memory_space<vmem>> -> memref<128x64xf32, #tpu.memory_space<vmem>>
      %dma_wait3A_113 = tpu.memref_slice %arg6[%add3A_109] : memref<25600xi32, #tpu.memory_space<vmem>> -> memref<128xi32, #tpu.memory_space<vmem>>
      %dma_wait3A_114 = arith.constant 0 : i32
      %dma_wait3A_115 = arith.constant 0 : i32
      %dma_wait3A_116 = tpu.memref_slice %arg3[%dma_wait3A_114, %dma_wait3A_115] : memref<1000000x64xf32, #tpu.memory_space<hbm>> -> memref<1000000x64xf32, #tpu.memory_space<hbm>>
      tpu.wait_indirect_dma semaphore(%arg10 : memref<!tpu.dma_semaphore, #tpu.memory_space<semaphore_mem>>) src(%dma_wait3A_116 : memref<1000000x64xf32, #tpu.memory_space<hbm>>) dst(%dma_wait3A_112 : memref<128x64xf32, #tpu.memory_space<vmem>>)
      %add3A_117 = arith.constant 256 : i32
      %add3A_118 = arith.addi %mul3A_98, %add3A_117 : i32
      %dma_wait3A_119 = arith.constant 256 : i32
      %dma_wait3A_120 = arith.constant 0 : i32
      %dma_wait3A_121 = tpu.memref_slice %arg8[%dma_wait3A_119, %dma_wait3A_120] : memref<400x64xf32, #tpu.memory_space<vmem>> -> memref<72x64xf32, #tpu.memory_space<vmem>>
      %dma_wait3A_122 = tpu.memref_slice %arg6[%add3A_118] : memref<25600xi32, #tpu.memory_space<vmem>> -> memref<72xi32, #tpu.memory_space<vmem>>
      %dma_wait3A_123 = arith.constant 0 : i32
      %dma_wait3A_124 = arith.constant 0 : i32
      %dma_wait3A_125 = tpu.memref_slice %arg3[%dma_wait3A_123, %dma_wait3A_124] : memref<1000000x64xf32, #tpu.memory_space<hbm>> -> memref<1000000x64xf32, #tpu.memory_space<hbm>>
      tpu.wait_indirect_dma semaphore(%arg10 : memref<!tpu.dma_semaphore, #tpu.memory_space<semaphore_mem>>) src(%dma_wait3A_125 : memref<1000000x64xf32, #tpu.memory_space<hbm>>) dst(%dma_wait3A_121 : memref<72x64xf32, #tpu.memory_space<vmem>>)
      %add3A_126 = arith.constant 328 : i32
      %add3A_127 = arith.addi %mul3A_98, %add3A_126 : i32
      %dma_wait3A_128 = arith.constant 328 : i32
      %dma_wait3A_129 = arith.constant 0 : i32
      %dma_wait3A_130 = tpu.memref_slice %arg8[%dma_wait3A_128, %dma_wait3A_129] : memref<400x64xf32, #tpu.memory_space<vmem>> -> memref<72x64xf32, #tpu.memory_space<vmem>>
      %dma_wait3A_131 = tpu.memref_slice %arg6[%add3A_127] : memref<25600xi32, #tpu.memory_space<vmem>> -> memref<72xi32, #tpu.memory_space<vmem>>
      %dma_wait3A_132 = arith.constant 0 : i32
      %dma_wait3A_133 = arith.constant 0 : i32
      %dma_wait3A_134 = tpu.memref_slice %arg3[%dma_wait3A_132, %dma_wait3A_133] : memref<1000000x64xf32, #tpu.memory_space<hbm>> -> memref<1000000x64xf32, #tpu.memory_space<hbm>>
      tpu.wait_indirect_dma semaphore(%arg10 : memref<!tpu.dma_semaphore, #tpu.memory_space<semaphore_mem>>) src(%dma_wait3A_134 : memref<1000000x64xf32, #tpu.memory_space<hbm>>) dst(%dma_wait3A_130 : memref<72x64xf32, #tpu.memory_space<vmem>>)
      %scan3A_135 = arith.constant 0 : i32
      %scan3A_136 = arith.constant 0 : i32
      %scan3A_137 = arith.constant 100 : i32
      %scan3A_138 = arith.addi %scan3A_136, %scan3A_137 : i32
      %scan3A_139 = arith.constant 1 : i32
      scf.for %scan3A_203 = %scan3A_136 to %scan3A_138 step %scan3A_139  : i32 {
        %mul3A_204 = arith.constant 2 : i32
        %mul3A_205 = arith.muli %scan3A_203, %mul3A_204 : i32
        %add3A_206 = arith.constant 0 : i32
        %add3A_207 = arith.addi %mul3A_205, %add3A_206 : i32
        %get3A = arith.index_cast %add3A_207 : i32 to index
        %get3A_208 = arith.constant 0 : index
        %get3A_209 = tpu.vector_load %arg7[%get3A, %get3A_208] {strides = array<i32>} : memref<200x64xf32, #tpu.memory_space<vmem>>, vector<1x16xf32>,
        %get3A_210 = vector.shape_cast %get3A_209 : vector<1x16xf32> to vector<16xf32>
        %get3A_211 = arith.index_cast %add3A_207 : i32 to index
        %get3A_212 = arith.constant 0 : index
        %get3A_213 = tpu.vector_load %arg8[%get3A_211, %get3A_212] {strides = array<i32>} : memref<400x64xf32, #tpu.memory_space<vmem>>, vector<1x16xf32>,
        %get3A_214 = vector.shape_cast %get3A_213 : vector<1x16xf32> to vector<16xf32>
        %add3A_215 = arith.addf %get3A_214, %get3A_210 : vector<16xf32>
        %swap3A = arith.index_cast %add3A_207 : i32 to index
        %swap3A_216 = arith.constant 0 : index
        %swap3A_217 = tpu.vector_load %arg8[%swap3A, %swap3A_216] {strides = array<i32>} : memref<400x64xf32, #tpu.memory_space<vmem>>, vector<1x16xf32>,
        %swap3A_218 = vector.shape_cast %swap3A_217 : vector<1x16xf32> to vector<16xf32>
        %swap3A_219 = vector.shape_cast %add3A_215 : vector<16xf32> to vector<1x16xf32>
        tpu.vector_store %arg8[%swap3A, %swap3A_216], %swap3A_219 {strides = array<i32>} : memref<400x64xf32, #tpu.memory_space<vmem>>, vector<1x16xf32>,
        %add3A_220 = arith.constant 200 : i32
        %add3A_221 = arith.addi %add3A_220, %add3A_207 : i32
        %get3A_222 = arith.index_cast %add3A_221 : i32 to index
        %get3A_223 = arith.constant 0 : index
        %get3A_224 = tpu.vector_load %arg8[%get3A_222, %get3A_223] {strides = array<i32>} : memref<400x64xf32, #tpu.memory_space<vmem>>, vector<1x16xf32>,
        %get3A_225 = vector.shape_cast %get3A_224 : vector<1x16xf32> to vector<16xf32>
        %add3A_226 = arith.addf %get3A_225, %get3A_210 : vector<16xf32>
        %add3A_227 = arith.constant 200 : i32
        %add3A_228 = arith.addi %add3A_227, %add3A_207 : i32
        %swap3A_229 = arith.index_cast %add3A_228 : i32 to index
        %swap3A_230 = arith.constant 0 : index
        %swap3A_231 = tpu.vector_load %arg8[%swap3A_229, %swap3A_230] {strides = array<i32>} : memref<400x64xf32, #tpu.memory_space<vmem>>, vector<1x16xf32>,
        %swap3A_232 = vector.shape_cast %swap3A_231 : vector<1x16xf32> to vector<16xf32>
        %swap3A_233 = vector.shape_cast %add3A_226 : vector<16xf32> to vector<1x16xf32>
        tpu.vector_store %arg8[%swap3A_229, %swap3A_230], %swap3A_233 {strides = array<i32>} : memref<400x64xf32, #tpu.memory_space<vmem>>, vector<1x16xf32>,
        %get3A_234 = arith.index_cast %add3A_207 : i32 to index
        %get3A_235 = arith.constant 16 : index
        %get3A_236 = tpu.vector_load %arg7[%get3A_234, %get3A_235] {strides = array<i32>} : memref<200x64xf32, #tpu.memory_space<vmem>>, vector<1x16xf32>,
        %get3A_237 = vector.shape_cast %get3A_236 : vector<1x16xf32> to vector<16xf32>
        %get3A_238 = arith.index_cast %add3A_207 : i32 to index
        %get3A_239 = arith.constant 16 : index
        %get3A_240 = tpu.vector_load %arg8[%get3A_238, %get3A_239] {strides = array<i32>} : memref<400x64xf32, #tpu.memory_space<vmem>>, vector<1x16xf32>,
        %get3A_241 = vector.shape_cast %get3A_240 : vector<1x16xf32> to vector<16xf32>
        %add3A_242 = arith.addf %get3A_241, %get3A_237 : vector<16xf32>
        %swap3A_243 = arith.index_cast %add3A_207 : i32 to index
        %swap3A_244 = arith.constant 16 : index
        %swap3A_245 = tpu.vector_load %arg8[%swap3A_243, %swap3A_244] {strides = array<i32>} : memref<400x64xf32, #tpu.memory_space<vmem>>, vector<1x16xf32>,
        %swap3A_246 = vector.shape_cast %swap3A_245 : vector<1x16xf32> to vector<16xf32>
        %swap3A_247 = vector.shape_cast %add3A_242 : vector<16xf32> to vector<1x16xf32>
        tpu.vector_store %arg8[%swap3A_243, %swap3A_244], %swap3A_247 {strides = array<i32>} : memref<400x64xf32, #tpu.memory_space<vmem>>, vector<1x16xf32>,
        %add3A_248 = arith.constant 200 : i32
        %add3A_249 = arith.addi %add3A_248, %add3A_207 : i32
        %get3A_250 = arith.index_cast %add3A_249 : i32 to index
        %get3A_251 = arith.constant 16 : index
        %get3A_252 = tpu.vector_load %arg8[%get3A_250, %get3A_251] {strides = array<i32>} : memref<400x64xf32, #tpu.memory_space<vmem>>, vector<1x16xf32>,
        %get3A_253 = vector.shape_cast %get3A_252 : vector<1x16xf32> to vector<16xf32>
        %add3A_254 = arith.addf %get3A_253, %get3A_237 : vector<16xf32>
        %add3A_255 = arith.constant 200 : i32
        %add3A_256 = arith.addi %add3A_255, %add3A_207 : i32
        %swap3A_257 = arith.index_cast %add3A_256 : i32 to index
        %swap3A_258 = arith.constant 16 : index
        %swap3A_259 = tpu.vector_load %arg8[%swap3A_257, %swap3A_258] {strides = array<i32>} : memref<400x64xf32, #tpu.memory_space<vmem>>, vector<1x16xf32>,
        %swap3A_260 = vector.shape_cast %swap3A_259 : vector<1x16xf32> to vector<16xf32>
        %swap3A_261 = vector.shape_cast %add3A_254 : vector<16xf32> to vector<1x16xf32>
        tpu.vector_store %arg8[%swap3A_257, %swap3A_258], %swap3A_261 {strides = array<i32>} : memref<400x64xf32, #tpu.memory_space<vmem>>, vector<1x16xf32>,
        %get3A_262 = arith.index_cast %add3A_207 : i32 to index
        %get3A_263 = arith.constant 32 : index
        %get3A_264 = tpu.vector_load %arg7[%get3A_262, %get3A_263] {strides = array<i32>} : memref<200x64xf32, #tpu.memory_space<vmem>>, vector<1x16xf32>,
        %get3A_265 = vector.shape_cast %get3A_264 : vector<1x16xf32> to vector<16xf32>
        %get3A_266 = arith.index_cast %add3A_207 : i32 to index
        %get3A_267 = arith.constant 32 : index
        %get3A_268 = tpu.vector_load %arg8[%get3A_266, %get3A_267] {strides = array<i32>} : memref<400x64xf32, #tpu.memory_space<vmem>>, vector<1x16xf32>,
        %get3A_269 = vector.shape_cast %get3A_268 : vector<1x16xf32> to vector<16xf32>
        %add3A_270 = arith.addf %get3A_269, %get3A_265 : vector<16xf32>
        %swap3A_271 = arith.index_cast %add3A_207 : i32 to index
        %swap3A_272 = arith.constant 32 : index
        %swap3A_273 = tpu.vector_load %arg8[%swap3A_271, %swap3A_272] {strides = array<i32>} : memref<400x64xf32, #tpu.memory_space<vmem>>, vector<1x16xf32>,
        %swap3A_274 = vector.shape_cast %swap3A_273 : vector<1x16xf32> to vector<16xf32>
        %swap3A_275 = vector.shape_cast %add3A_270 : vector<16xf32> to vector<1x16xf32>
        tpu.vector_store %arg8[%swap3A_271, %swap3A_272], %swap3A_275 {strides = array<i32>} : memref<400x64xf32, #tpu.memory_space<vmem>>, vector<1x16xf32>,
        %add3A_276 = arith.constant 200 : i32
        %add3A_277 = arith.addi %add3A_276, %add3A_207 : i32
        %get3A_278 = arith.index_cast %add3A_277 : i32 to index
        %get3A_279 = arith.constant 32 : index
        %get3A_280 = tpu.vector_load %arg8[%get3A_278, %get3A_279] {strides = array<i32>} : memref<400x64xf32, #tpu.memory_space<vmem>>, vector<1x16xf32>,
        %get3A_281 = vector.shape_cast %get3A_280 : vector<1x16xf32> to vector<16xf32>
        %add3A_282 = arith.addf %get3A_281, %get3A_265 : vector<16xf32>
        %add3A_283 = arith.constant 200 : i32
        %add3A_284 = arith.addi %add3A_283, %add3A_207 : i32
        %swap3A_285 = arith.index_cast %add3A_284 : i32 to index
        %swap3A_286 = arith.constant 32 : index
        %swap3A_287 = tpu.vector_load %arg8[%swap3A_285, %swap3A_286] {strides = array<i32>} : memref<400x64xf32, #tpu.memory_space<vmem>>, vector<1x16xf32>,
        %swap3A_288 = vector.shape_cast %swap3A_287 : vector<1x16xf32> to vector<16xf32>
        %swap3A_289 = vector.shape_cast %add3A_282 : vector<16xf32> to vector<1x16xf32>
        tpu.vector_store %arg8[%swap3A_285, %swap3A_286], %swap3A_289 {strides = array<i32>} : memref<400x64xf32, #tpu.memory_space<vmem>>, vector<1x16xf32>,
        %get3A_290 = arith.index_cast %add3A_207 : i32 to index
        %get3A_291 = arith.constant 48 : index
        %get3A_292 = tpu.vector_load %arg7[%get3A_290, %get3A_291] {strides = array<i32>} : memref<200x64xf32, #tpu.memory_space<vmem>>, vector<1x16xf32>,
        %get3A_293 = vector.shape_cast %get3A_292 : vector<1x16xf32> to vector<16xf32>
        %get3A_294 = arith.index_cast %add3A_207 : i32 to index
        %get3A_295 = arith.constant 48 : index
        %get3A_296 = tpu.vector_load %arg8[%get3A_294, %get3A_295] {strides = array<i32>} : memref<400x64xf32, #tpu.memory_space<vmem>>, vector<1x16xf32>,
        %get3A_297 = vector.shape_cast %get3A_296 : vector<1x16xf32> to vector<16xf32>
        %add3A_298 = arith.addf %get3A_297, %get3A_293 : vector<16xf32>
        %swap3A_299 = arith.index_cast %add3A_207 : i32 to index
        %swap3A_300 = arith.constant 48 : index
        %swap3A_301 = tpu.vector_load %arg8[%swap3A_299, %swap3A_300] {strides = array<i32>} : memref<400x64xf32, #tpu.memory_space<vmem>>, vector<1x16xf32>,
        %swap3A_302 = vector.shape_cast %swap3A_301 : vector<1x16xf32> to vector<16xf32>
        %swap3A_303 = vector.shape_cast %add3A_298 : vector<16xf32> to vector<1x16xf32>
        tpu.vector_store %arg8[%swap3A_299, %swap3A_300], %swap3A_303 {strides = array<i32>} : memref<400x64xf32, #tpu.memory_space<vmem>>, vector<1x16xf32>,
        %add3A_304 = arith.constant 200 : i32
        %add3A_305 = arith.addi %add3A_304, %add3A_207 : i32
        %get3A_306 = arith.index_cast %add3A_305 : i32 to index
        %get3A_307 = arith.constant 48 : index
        %get3A_308 = tpu.vector_load %arg8[%get3A_306, %get3A_307] {strides = array<i32>} : memref<400x64xf32, #tpu.memory_space<vmem>>, vector<1x16xf32>,
        %get3A_309 = vector.shape_cast %get3A_308 : vector<1x16xf32> to vector<16xf32>
        %add3A_310 = arith.addf %get3A_309, %get3A_293 : vector<16xf32>
        %add3A_311 = arith.constant 200 : i32
        %add3A_312 = arith.addi %add3A_311, %add3A_207 : i32
        %swap3A_313 = arith.index_cast %add3A_312 : i32 to index
        %swap3A_314 = arith.constant 48 : index
        %swap3A_315 = tpu.vector_load %arg8[%swap3A_313, %swap3A_314] {strides = array<i32>} : memref<400x64xf32, #tpu.memory_space<vmem>>, vector<1x16xf32>,
        %swap3A_316 = vector.shape_cast %swap3A_315 : vector<1x16xf32> to vector<16xf32>
        %swap3A_317 = vector.shape_cast %add3A_310 : vector<16xf32> to vector<1x16xf32>
        tpu.vector_store %arg8[%swap3A_313, %swap3A_314], %swap3A_317 {strides = array<i32>} : memref<400x64xf32, #tpu.memory_space<vmem>>, vector<1x16xf32>,
        %mul3A_318 = arith.constant 2 : i32
        %mul3A_319 = arith.muli %scan3A_203, %mul3A_318 : i32
        %add3A_320 = arith.constant 1 : i32
        %add3A_321 = arith.addi %mul3A_319, %add3A_320 : i32
        %get3A_322 = arith.index_cast %add3A_321 : i32 to index
        %get3A_323 = arith.constant 0 : index
        %get3A_324 = tpu.vector_load %arg7[%get3A_322, %get3A_323] {strides = array<i32>} : memref<200x64xf32, #tpu.memory_space<vmem>>, vector<1x16xf32>,
        %get3A_325 = vector.shape_cast %get3A_324 : vector<1x16xf32> to vector<16xf32>
        %get3A_326 = arith.index_cast %add3A_321 : i32 to index
        %get3A_327 = arith.constant 0 : index
        %get3A_328 = tpu.vector_load %arg8[%get3A_326, %get3A_327] {strides = array<i32>} : memref<400x64xf32, #tpu.memory_space<vmem>>, vector<1x16xf32>,
        %get3A_329 = vector.shape_cast %get3A_328 : vector<1x16xf32> to vector<16xf32>
        %add3A_330 = arith.addf %get3A_329, %get3A_325 : vector<16xf32>
        %swap3A_331 = arith.index_cast %add3A_321 : i32 to index
        %swap3A_332 = arith.constant 0 : index
        %swap3A_333 = tpu.vector_load %arg8[%swap3A_331, %swap3A_332] {strides = array<i32>} : memref<400x64xf32, #tpu.memory_space<vmem>>, vector<1x16xf32>,
        %swap3A_334 = vector.shape_cast %swap3A_333 : vector<1x16xf32> to vector<16xf32>
        %swap3A_335 = vector.shape_cast %add3A_330 : vector<16xf32> to vector<1x16xf32>
        tpu.vector_store %arg8[%swap3A_331, %swap3A_332], %swap3A_335 {strides = array<i32>} : memref<400x64xf32, #tpu.memory_space<vmem>>, vector<1x16xf32>,
        %add3A_336 = arith.constant 200 : i32
        %add3A_337 = arith.addi %add3A_336, %add3A_321 : i32
        %get3A_338 = arith.index_cast %add3A_337 : i32 to index
        %get3A_339 = arith.constant 0 : index
        %get3A_340 = tpu.vector_load %arg8[%get3A_338, %get3A_339] {strides = array<i32>} : memref<400x64xf32, #tpu.memory_space<vmem>>, vector<1x16xf32>,
        %get3A_341 = vector.shape_cast %get3A_340 : vector<1x16xf32> to vector<16xf32>
        %add3A_342 = arith.addf %get3A_341, %get3A_325 : vector<16xf32>
        %add3A_343 = arith.constant 200 : i32
        %add3A_344 = arith.addi %add3A_343, %add3A_321 : i32
        %swap3A_345 = arith.index_cast %add3A_344 : i32 to index
        %swap3A_346 = arith.constant 0 : index
        %swap3A_347 = tpu.vector_load %arg8[%swap3A_345, %swap3A_346] {strides = array<i32>} : memref<400x64xf32, #tpu.memory_space<vmem>>, vector<1x16xf32>,
        %swap3A_348 = vector.shape_cast %swap3A_347 : vector<1x16xf32> to vector<16xf32>
        %swap3A_349 = vector.shape_cast %add3A_342 : vector<16xf32> to vector<1x16xf32>
        tpu.vector_store %arg8[%swap3A_345, %swap3A_346], %swap3A_349 {strides = array<i32>} : memref<400x64xf32, #tpu.memory_space<vmem>>, vector<1x16xf32>,
        %get3A_350 = arith.index_cast %add3A_321 : i32 to index
        %get3A_351 = arith.constant 16 : index
        %get3A_352 = tpu.vector_load %arg7[%get3A_350, %get3A_351] {strides = array<i32>} : memref<200x64xf32, #tpu.memory_space<vmem>>, vector<1x16xf32>,
        %get3A_353 = vector.shape_cast %get3A_352 : vector<1x16xf32> to vector<16xf32>
        %get3A_354 = arith.index_cast %add3A_321 : i32 to index
        %get3A_355 = arith.constant 16 : index
        %get3A_356 = tpu.vector_load %arg8[%get3A_354, %get3A_355] {strides = array<i32>} : memref<400x64xf32, #tpu.memory_space<vmem>>, vector<1x16xf32>,
        %get3A_357 = vector.shape_cast %get3A_356 : vector<1x16xf32> to vector<16xf32>
        %add3A_358 = arith.addf %get3A_357, %get3A_353 : vector<16xf32>
        %swap3A_359 = arith.index_cast %add3A_321 : i32 to index
        %swap3A_360 = arith.constant 16 : index
        %swap3A_361 = tpu.vector_load %arg8[%swap3A_359, %swap3A_360] {strides = array<i32>} : memref<400x64xf32, #tpu.memory_space<vmem>>, vector<1x16xf32>,
        %swap3A_362 = vector.shape_cast %swap3A_361 : vector<1x16xf32> to vector<16xf32>
        %swap3A_363 = vector.shape_cast %add3A_358 : vector<16xf32> to vector<1x16xf32>
        tpu.vector_store %arg8[%swap3A_359, %swap3A_360], %swap3A_363 {strides = array<i32>} : memref<400x64xf32, #tpu.memory_space<vmem>>, vector<1x16xf32>,
        %add3A_364 = arith.constant 200 : i32
        %add3A_365 = arith.addi %add3A_364, %add3A_321 : i32
        %get3A_366 = arith.index_cast %add3A_365 : i32 to index
        %get3A_367 = arith.constant 16 : index
        %get3A_368 = tpu.vector_load %arg8[%get3A_366, %get3A_367] {strides = array<i32>} : memref<400x64xf32, #tpu.memory_space<vmem>>, vector<1x16xf32>,
        %get3A_369 = vector.shape_cast %get3A_368 : vector<1x16xf32> to vector<16xf32>
        %add3A_370 = arith.addf %get3A_369, %get3A_353 : vector<16xf32>
        %add3A_371 = arith.constant 200 : i32
        %add3A_372 = arith.addi %add3A_371, %add3A_321 : i32
        %swap3A_373 = arith.index_cast %add3A_372 : i32 to index
        %swap3A_374 = arith.constant 16 : index
        %swap3A_375 = tpu.vector_load %arg8[%swap3A_373, %swap3A_374] {strides = array<i32>} : memref<400x64xf32, #tpu.memory_space<vmem>>, vector<1x16xf32>,
        %swap3A_376 = vector.shape_cast %swap3A_375 : vector<1x16xf32> to vector<16xf32>
        %swap3A_377 = vector.shape_cast %add3A_370 : vector<16xf32> to vector<1x16xf32>
        tpu.vector_store %arg8[%swap3A_373, %swap3A_374], %swap3A_377 {strides = array<i32>} : memref<400x64xf32, #tpu.memory_space<vmem>>, vector<1x16xf32>,
        %get3A_378 = arith.index_cast %add3A_321 : i32 to index
        %get3A_379 = arith.constant 32 : index
        %get3A_380 = tpu.vector_load %arg7[%get3A_378, %get3A_379] {strides = array<i32>} : memref<200x64xf32, #tpu.memory_space<vmem>>, vector<1x16xf32>,
        %get3A_381 = vector.shape_cast %get3A_380 : vector<1x16xf32> to vector<16xf32>
        %get3A_382 = arith.index_cast %add3A_321 : i32 to index
        %get3A_383 = arith.constant 32 : index
        %get3A_384 = tpu.vector_load %arg8[%get3A_382, %get3A_383] {strides = array<i32>} : memref<400x64xf32, #tpu.memory_space<vmem>>, vector<1x16xf32>,
        %get3A_385 = vector.shape_cast %get3A_384 : vector<1x16xf32> to vector<16xf32>
        %add3A_386 = arith.addf %get3A_385, %get3A_381 : vector<16xf32>
        %swap3A_387 = arith.index_cast %add3A_321 : i32 to index
        %swap3A_388 = arith.constant 32 : index
        %swap3A_389 = tpu.vector_load %arg8[%swap3A_387, %swap3A_388] {strides = array<i32>} : memref<400x64xf32, #tpu.memory_space<vmem>>, vector<1x16xf32>,
        %swap3A_390 = vector.shape_cast %swap3A_389 : vector<1x16xf32> to vector<16xf32>
        %swap3A_391 = vector.shape_cast %add3A_386 : vector<16xf32> to vector<1x16xf32>
        tpu.vector_store %arg8[%swap3A_387, %swap3A_388], %swap3A_391 {strides = array<i32>} : memref<400x64xf32, #tpu.memory_space<vmem>>, vector<1x16xf32>,
        %add3A_392 = arith.constant 200 : i32
        %add3A_393 = arith.addi %add3A_392, %add3A_321 : i32
        %get3A_394 = arith.index_cast %add3A_393 : i32 to index
        %get3A_395 = arith.constant 32 : index
        %get3A_396 = tpu.vector_load %arg8[%get3A_394, %get3A_395] {strides = array<i32>} : memref<400x64xf32, #tpu.memory_space<vmem>>, vector<1x16xf32>,
        %get3A_397 = vector.shape_cast %get3A_396 : vector<1x16xf32> to vector<16xf32>
        %add3A_398 = arith.addf %get3A_397, %get3A_381 : vector<16xf32>
        %add3A_399 = arith.constant 200 : i32
        %add3A_400 = arith.addi %add3A_399, %add3A_321 : i32
        %swap3A_401 = arith.index_cast %add3A_400 : i32 to index
        %swap3A_402 = arith.constant 32 : index
        %swap3A_403 = tpu.vector_load %arg8[%swap3A_401, %swap3A_402] {strides = array<i32>} : memref<400x64xf32, #tpu.memory_space<vmem>>, vector<1x16xf32>,
        %swap3A_404 = vector.shape_cast %swap3A_403 : vector<1x16xf32> to vector<16xf32>
        %swap3A_405 = vector.shape_cast %add3A_398 : vector<16xf32> to vector<1x16xf32>
        tpu.vector_store %arg8[%swap3A_401, %swap3A_402], %swap3A_405 {strides = array<i32>} : memref<400x64xf32, #tpu.memory_space<vmem>>, vector<1x16xf32>,
        %get3A_406 = arith.index_cast %add3A_321 : i32 to index
        %get3A_407 = arith.constant 48 : index
        %get3A_408 = tpu.vector_load %arg7[%get3A_406, %get3A_407] {strides = array<i32>} : memref<200x64xf32, #tpu.memory_space<vmem>>, vector<1x16xf32>,
        %get3A_409 = vector.shape_cast %get3A_408 : vector<1x16xf32> to vector<16xf32>
        %get3A_410 = arith.index_cast %add3A_321 : i32 to index
        %get3A_411 = arith.constant 48 : index
        %get3A_412 = tpu.vector_load %arg8[%get3A_410, %get3A_411] {strides = array<i32>} : memref<400x64xf32, #tpu.memory_space<vmem>>, vector<1x16xf32>,
        %get3A_413 = vector.shape_cast %get3A_412 : vector<1x16xf32> to vector<16xf32>
        %add3A_414 = arith.addf %get3A_413, %get3A_409 : vector<16xf32>
        %swap3A_415 = arith.index_cast %add3A_321 : i32 to index
        %swap3A_416 = arith.constant 48 : index
        %swap3A_417 = tpu.vector_load %arg8[%swap3A_415, %swap3A_416] {strides = array<i32>} : memref<400x64xf32, #tpu.memory_space<vmem>>, vector<1x16xf32>,
        %swap3A_418 = vector.shape_cast %swap3A_417 : vector<1x16xf32> to vector<16xf32>
        %swap3A_419 = vector.shape_cast %add3A_414 : vector<16xf32> to vector<1x16xf32>
        tpu.vector_store %arg8[%swap3A_415, %swap3A_416], %swap3A_419 {strides = array<i32>} : memref<400x64xf32, #tpu.memory_space<vmem>>, vector<1x16xf32>,
        %add3A_420 = arith.constant 200 : i32
        %add3A_421 = arith.addi %add3A_420, %add3A_321 : i32
        %get3A_422 = arith.index_cast %add3A_421 : i32 to index
        %get3A_423 = arith.constant 48 : index
        %get3A_424 = tpu.vector_load %arg8[%get3A_422, %get3A_423] {strides = array<i32>} : memref<400x64xf32, #tpu.memory_space<vmem>>, vector<1x16xf32>,
        %get3A_425 = vector.shape_cast %get3A_424 : vector<1x16xf32> to vector<16xf32>
        %add3A_426 = arith.addf %get3A_425, %get3A_409 : vector<16xf32>
        %add3A_427 = arith.constant 200 : i32
        %add3A_428 = arith.addi %add3A_427, %add3A_321 : i32
        %swap3A_429 = arith.index_cast %add3A_428 : i32 to index
        %swap3A_430 = arith.constant 48 : index
        %swap3A_431 = tpu.vector_load %arg8[%swap3A_429, %swap3A_430] {strides = array<i32>} : memref<400x64xf32, #tpu.memory_space<vmem>>, vector<1x16xf32>,
        %swap3A_432 = vector.shape_cast %swap3A_431 : vector<1x16xf32> to vector<16xf32>
        %swap3A_433 = vector.shape_cast %add3A_426 : vector<16xf32> to vector<1x16xf32>
        tpu.vector_store %arg8[%swap3A_429, %swap3A_430], %swap3A_433 {strides = array<i32>} : memref<400x64xf32, #tpu.memory_space<vmem>>, vector<1x16xf32>,
      }
      %scan3A_140 = arith.constant 100 : i32
      %mul3A_141 = arith.constant 400 : i32
      %mul3A_142 = arith.muli %mul3A_52, %mul3A_141 : i32
      %add3A_143 = arith.addi %multiple_of3A, %mul3A_142 : i32
      %dma_start3A_144 = arith.constant 0 : i32
      %dma_start3A_145 = tpu.memref_slice %arg5[%add3A_143, %dma_start3A_144] : memref<819200x128xf32, #tpu.memory_space<hbm>> -> memref<400x64xf32, #tpu.memory_space<hbm>>
      %dma_start3A_146 = arith.constant 0 : i32
      %dma_start3A_147 = tpu.memref_slice %arg5[%add3A_143, %dma_start3A_146] : memref<819200x128xf32, #tpu.memory_space<hbm>> -> memref<400x64xf32, #tpu.memory_space<hbm>>
      tpu.enqueue_dma source(%arg8 : memref<400x64xf32, #tpu.memory_space<vmem>>) target(%dma_start3A_147 : memref<400x64xf32, #tpu.memory_space<hbm>>) target_semaphore(%arg12 : memref<!tpu.dma_semaphore, #tpu.memory_space<semaphore_mem>>)
      %mul3A_148 = arith.constant 400 : i32
      %mul3A_149 = arith.muli %add3A_56, %mul3A_148 : i32
      %add3A_150 = arith.constant 0 : i32
      %add3A_151 = arith.addi %mul3A_149, %add3A_150 : i32
      %dma_wait3A_152 = arith.constant 0 : i32
      %dma_wait3A_153 = arith.constant 0 : i32
      %dma_wait3A_154 = tpu.memref_slice %arg9[%dma_wait3A_152, %dma_wait3A_153] : memref<400x64xf32, #tpu.memory_space<vmem>> -> memref<128x64xf32, #tpu.memory_space<vmem>>
      %dma_wait3A_155 = tpu.memref_slice %arg6[%add3A_151] : memref<25600xi32, #tpu.memory_space<vmem>> -> memref<128xi32, #tpu.memory_space<vmem>>
      %dma_wait3A_156 = arith.constant 0 : i32
      %dma_wait3A_157 = arith.constant 0 : i32
      %dma_wait3A_158 = tpu.memref_slice %arg3[%dma_wait3A_156, %dma_wait3A_157] : memref<1000000x64xf32, #tpu.memory_space<hbm>> -> memref<1000000x64xf32, #tpu.memory_space<hbm>>
      tpu.wait_indirect_dma semaphore(%arg11 : memref<!tpu.dma_semaphore, #tpu.memory_space<semaphore_mem>>) src(%dma_wait3A_158 : memref<1000000x64xf32, #tpu.memory_space<hbm>>) dst(%dma_wait3A_154 : memref<128x64xf32, #tpu.memory_space<vmem>>)
      %add3A_159 = arith.constant 128 : i32
      %add3A_160 = arith.addi %mul3A_149, %add3A_159 : i32
      %dma_wait3A_161 = arith.constant 128 : i32
      %dma_wait3A_162 = arith.constant 0 : i32
      %dma_wait3A_163 = tpu.memref_slice %arg9[%dma_wait3A_161, %dma_wait3A_162] : memref<400x64xf32, #tpu.memory_space<vmem>> -> memref<128x64xf32, #tpu.memory_space<vmem>>
      %dma_wait3A_164 = tpu.memref_slice %arg6[%add3A_160] : memref<25600xi32, #tpu.memory_space<vmem>> -> memref<128xi32, #tpu.memory_space<vmem>>
      %dma_wait3A_165 = arith.constant 0 : i32
      %dma_wait3A_166 = arith.constant 0 : i32
      %dma_wait3A_167 = tpu.memref_slice %arg3[%dma_wait3A_165, %dma_wait3A_166] : memref<1000000x64xf32, #tpu.memory_space<hbm>> -> memref<1000000x64xf32, #tpu.memory_space<hbm>>
      tpu.wait_indirect_dma semaphore(%arg11 : memref<!tpu.dma_semaphore, #tpu.memory_space<semaphore_mem>>) src(%dma_wait3A_167 : memref<1000000x64xf32, #tpu.memory_space<hbm>>) dst(%dma_wait3A_163 : memref<128x64xf32, #tpu.memory_space<vmem>>)
      %add3A_168 = arith.constant 256 : i32
      %add3A_169 = arith.addi %mul3A_149, %add3A_168 : i32
      %dma_wait3A_170 = arith.constant 256 : i32
      %dma_wait3A_171 = arith.constant 0 : i32
      %dma_wait3A_172 = tpu.memref_slice %arg9[%dma_wait3A_170, %dma_wait3A_171] : memref<400x64xf32, #tpu.memory_space<vmem>> -> memref<72x64xf32, #tpu.memory_space<vmem>>
      %dma_wait3A_173 = tpu.memref_slice %arg6[%add3A_169] : memref<25600xi32, #tpu.memory_space<vmem>> -> memref<72xi32, #tpu.memory_space<vmem>>
      %dma_wait3A_174 = arith.constant 0 : i32
      %dma_wait3A_175 = arith.constant 0 : i32
      %dma_wait3A_176 = tpu.memref_slice %arg3[%dma_wait3A_174, %dma_wait3A_175] : memref<1000000x64xf32, #tpu.memory_space<hbm>> -> memref<1000000x64xf32, #tpu.memory_space<hbm>>
      tpu.wait_indirect_dma semaphore(%arg11 : memref<!tpu.dma_semaphore, #tpu.memory_space<semaphore_mem>>) src(%dma_wait3A_176 : memref<1000000x64xf32, #tpu.memory_space<hbm>>) dst(%dma_wait3A_172 : memref<72x64xf32, #tpu.memory_space<vmem>>)
      %add3A_177 = arith.constant 328 : i32
      %add3A_178 = arith.addi %mul3A_149, %add3A_177 : i32
      %dma_wait3A_179 = arith.constant 328 : i32
      %dma_wait3A_180 = arith.constant 0 : i32
      %dma_wait3A_181 = tpu.memref_slice %arg9[%dma_wait3A_179, %dma_wait3A_180] : memref<400x64xf32, #tpu.memory_space<vmem>> -> memref<72x64xf32, #tpu.memory_space<vmem>>
      %dma_wait3A_182 = tpu.memref_slice %arg6[%add3A_178] : memref<25600xi32, #tpu.memory_space<vmem>> -> memref<72xi32, #tpu.memory_space<vmem>>
      %dma_wait3A_183 = arith.constant 0 : i32
      %dma_wait3A_184 = arith.constant 0 : i32
      %dma_wait3A_185 = tpu.memref_slice %arg3[%dma_wait3A_183, %dma_wait3A_184] : memref<1000000x64xf32, #tpu.memory_space<hbm>> -> memref<1000000x64xf32, #tpu.memory_space<hbm>>
      tpu.wait_indirect_dma semaphore(%arg11 : memref<!tpu.dma_semaphore, #tpu.memory_space<semaphore_mem>>) src(%dma_wait3A_185 : memref<1000000x64xf32, #tpu.memory_space<hbm>>) dst(%dma_wait3A_181 : memref<72x64xf32, #tpu.memory_space<vmem>>)
      %scan3A_186 = arith.constant 0 : i32
      %scan3A_187 = arith.constant 0 : i32
      %scan3A_188 = arith.constant 100 : i32
      %scan3A_189 = arith.addi %scan3A_187, %scan3A_188 : i32
      %scan3A_190 = arith.constant 1 : i32
      scf.for %scan3A_203 = %scan3A_187 to %scan3A_189 step %scan3A_190  : i32 {
        %mul3A_204 = arith.constant 2 : i32
        %mul3A_205 = arith.muli %scan3A_203, %mul3A_204 : i32
        %add3A_206 = arith.constant 0 : i32
        %add3A_207 = arith.addi %mul3A_205, %add3A_206 : i32
        %get3A = arith.index_cast %add3A_207 : i32 to index
        %get3A_208 = arith.constant 0 : index
        %get3A_209 = tpu.vector_load %arg7[%get3A, %get3A_208] {strides = array<i32>} : memref<200x64xf32, #tpu.memory_space<vmem>>, vector<1x16xf32>,
        %get3A_210 = vector.shape_cast %get3A_209 : vector<1x16xf32> to vector<16xf32>
        %get3A_211 = arith.index_cast %add3A_207 : i32 to index
        %get3A_212 = arith.constant 0 : index
        %get3A_213 = tpu.vector_load %arg9[%get3A_211, %get3A_212] {strides = array<i32>} : memref<400x64xf32, #tpu.memory_space<vmem>>, vector<1x16xf32>,
        %get3A_214 = vector.shape_cast %get3A_213 : vector<1x16xf32> to vector<16xf32>
        %add3A_215 = arith.addf %get3A_214, %get3A_210 : vector<16xf32>
        %swap3A = arith.index_cast %add3A_207 : i32 to index
        %swap3A_216 = arith.constant 0 : index
        %swap3A_217 = tpu.vector_load %arg9[%swap3A, %swap3A_216] {strides = array<i32>} : memref<400x64xf32, #tpu.memory_space<vmem>>, vector<1x16xf32>,
        %swap3A_218 = vector.shape_cast %swap3A_217 : vector<1x16xf32> to vector<16xf32>
        %swap3A_219 = vector.shape_cast %add3A_215 : vector<16xf32> to vector<1x16xf32>
        tpu.vector_store %arg9[%swap3A, %swap3A_216], %swap3A_219 {strides = array<i32>} : memref<400x64xf32, #tpu.memory_space<vmem>>, vector<1x16xf32>,
        %add3A_220 = arith.constant 200 : i32
        %add3A_221 = arith.addi %add3A_220, %add3A_207 : i32
        %get3A_222 = arith.index_cast %add3A_221 : i32 to index
        %get3A_223 = arith.constant 0 : index
        %get3A_224 = tpu.vector_load %arg9[%get3A_222, %get3A_223] {strides = array<i32>} : memref<400x64xf32, #tpu.memory_space<vmem>>, vector<1x16xf32>,
        %get3A_225 = vector.shape_cast %get3A_224 : vector<1x16xf32> to vector<16xf32>
        %add3A_226 = arith.addf %get3A_225, %get3A_210 : vector<16xf32>
        %add3A_227 = arith.constant 200 : i32
        %add3A_228 = arith.addi %add3A_227, %add3A_207 : i32
        %swap3A_229 = arith.index_cast %add3A_228 : i32 to index
        %swap3A_230 = arith.constant 0 : index
        %swap3A_231 = tpu.vector_load %arg9[%swap3A_229, %swap3A_230] {strides = array<i32>} : memref<400x64xf32, #tpu.memory_space<vmem>>, vector<1x16xf32>,
        %swap3A_232 = vector.shape_cast %swap3A_231 : vector<1x16xf32> to vector<16xf32>
        %swap3A_233 = vector.shape_cast %add3A_226 : vector<16xf32> to vector<1x16xf32>
        tpu.vector_store %arg9[%swap3A_229, %swap3A_230], %swap3A_233 {strides = array<i32>} : memref<400x64xf32, #tpu.memory_space<vmem>>, vector<1x16xf32>,
        %get3A_234 = arith.index_cast %add3A_207 : i32 to index
        %get3A_235 = arith.constant 16 : index
        %get3A_236 = tpu.vector_load %arg7[%get3A_234, %get3A_235] {strides = array<i32>} : memref<200x64xf32, #tpu.memory_space<vmem>>, vector<1x16xf32>,
        %get3A_237 = vector.shape_cast %get3A_236 : vector<1x16xf32> to vector<16xf32>
        %get3A_238 = arith.index_cast %add3A_207 : i32 to index
        %get3A_239 = arith.constant 16 : index
        %get3A_240 = tpu.vector_load %arg9[%get3A_238, %get3A_239] {strides = array<i32>} : memref<400x64xf32, #tpu.memory_space<vmem>>, vector<1x16xf32>,
        %get3A_241 = vector.shape_cast %get3A_240 : vector<1x16xf32> to vector<16xf32>
        %add3A_242 = arith.addf %get3A_241, %get3A_237 : vector<16xf32>
        %swap3A_243 = arith.index_cast %add3A_207 : i32 to index
        %swap3A_244 = arith.constant 16 : index
        %swap3A_245 = tpu.vector_load %arg9[%swap3A_243, %swap3A_244] {strides = array<i32>} : memref<400x64xf32, #tpu.memory_space<vmem>>, vector<1x16xf32>,
        %swap3A_246 = vector.shape_cast %swap3A_245 : vector<1x16xf32> to vector<16xf32>
        %swap3A_247 = vector.shape_cast %add3A_242 : vector<16xf32> to vector<1x16xf32>
        tpu.vector_store %arg9[%swap3A_243, %swap3A_244], %swap3A_247 {strides = array<i32>} : memref<400x64xf32, #tpu.memory_space<vmem>>, vector<1x16xf32>,
        %add3A_248 = arith.constant 200 : i32
        %add3A_249 = arith.addi %add3A_248, %add3A_207 : i32
        %get3A_250 = arith.index_cast %add3A_249 : i32 to index
        %get3A_251 = arith.constant 16 : index
        %get3A_252 = tpu.vector_load %arg9[%get3A_250, %get3A_251] {strides = array<i32>} : memref<400x64xf32, #tpu.memory_space<vmem>>, vector<1x16xf32>,
        %get3A_253 = vector.shape_cast %get3A_252 : vector<1x16xf32> to vector<16xf32>
        %add3A_254 = arith.addf %get3A_253, %get3A_237 : vector<16xf32>
        %add3A_255 = arith.constant 200 : i32
        %add3A_256 = arith.addi %add3A_255, %add3A_207 : i32
        %swap3A_257 = arith.index_cast %add3A_256 : i32 to index
        %swap3A_258 = arith.constant 16 : index
        %swap3A_259 = tpu.vector_load %arg9[%swap3A_257, %swap3A_258] {strides = array<i32>} : memref<400x64xf32, #tpu.memory_space<vmem>>, vector<1x16xf32>,
        %swap3A_260 = vector.shape_cast %swap3A_259 : vector<1x16xf32> to vector<16xf32>
        %swap3A_261 = vector.shape_cast %add3A_254 : vector<16xf32> to vector<1x16xf32>
        tpu.vector_store %arg9[%swap3A_257, %swap3A_258], %swap3A_261 {strides = array<i32>} : memref<400x64xf32, #tpu.memory_space<vmem>>, vector<1x16xf32>,
        %get3A_262 = arith.index_cast %add3A_207 : i32 to index
        %get3A_263 = arith.constant 32 : index
        %get3A_264 = tpu.vector_load %arg7[%get3A_262, %get3A_263] {strides = array<i32>} : memref<200x64xf32, #tpu.memory_space<vmem>>, vector<1x16xf32>,
        %get3A_265 = vector.shape_cast %get3A_264 : vector<1x16xf32> to vector<16xf32>
        %get3A_266 = arith.index_cast %add3A_207 : i32 to index
        %get3A_267 = arith.constant 32 : index
        %get3A_268 = tpu.vector_load %arg9[%get3A_266, %get3A_267] {strides = array<i32>} : memref<400x64xf32, #tpu.memory_space<vmem>>, vector<1x16xf32>,
        %get3A_269 = vector.shape_cast %get3A_268 : vector<1x16xf32> to vector<16xf32>
        %add3A_270 = arith.addf %get3A_269, %get3A_265 : vector<16xf32>
        %swap3A_271 = arith.index_cast %add3A_207 : i32 to index
        %swap3A_272 = arith.constant 32 : index
        %swap3A_273 = tpu.vector_load %arg9[%swap3A_271, %swap3A_272] {strides = array<i32>} : memref<400x64xf32, #tpu.memory_space<vmem>>, vector<1x16xf32>,
        %swap3A_274 = vector.shape_cast %swap3A_273 : vector<1x16xf32> to vector<16xf32>
        %swap3A_275 = vector.shape_cast %add3A_270 : vector<16xf32> to vector<1x16xf32>
        tpu.vector_store %arg9[%swap3A_271, %swap3A_272], %swap3A_275 {strides = array<i32>} : memref<400x64xf32, #tpu.memory_space<vmem>>, vector<1x16xf32>,
        %add3A_276 = arith.constant 200 : i32
        %add3A_277 = arith.addi %add3A_276, %add3A_207 : i32
        %get3A_278 = arith.index_cast %add3A_277 : i32 to index
        %get3A_279 = arith.constant 32 : index
        %get3A_280 = tpu.vector_load %arg9[%get3A_278, %get3A_279] {strides = array<i32>} : memref<400x64xf32, #tpu.memory_space<vmem>>, vector<1x16xf32>,
        %get3A_281 = vector.shape_cast %get3A_280 : vector<1x16xf32> to vector<16xf32>
        %add3A_282 = arith.addf %get3A_281, %get3A_265 : vector<16xf32>
        %add3A_283 = arith.constant 200 : i32
        %add3A_284 = arith.addi %add3A_283, %add3A_207 : i32
        %swap3A_285 = arith.index_cast %add3A_284 : i32 to index
        %swap3A_286 = arith.constant 32 : index
        %swap3A_287 = tpu.vector_load %arg9[%swap3A_285, %swap3A_286] {strides = array<i32>} : memref<400x64xf32, #tpu.memory_space<vmem>>, vector<1x16xf32>,
        %swap3A_288 = vector.shape_cast %swap3A_287 : vector<1x16xf32> to vector<16xf32>
        %swap3A_289 = vector.shape_cast %add3A_282 : vector<16xf32> to vector<1x16xf32>
        tpu.vector_store %arg9[%swap3A_285, %swap3A_286], %swap3A_289 {strides = array<i32>} : memref<400x64xf32, #tpu.memory_space<vmem>>, vector<1x16xf32>,
        %get3A_290 = arith.index_cast %add3A_207 : i32 to index
        %get3A_291 = arith.constant 48 : index
        %get3A_292 = tpu.vector_load %arg7[%get3A_290, %get3A_291] {strides = array<i32>} : memref<200x64xf32, #tpu.memory_space<vmem>>, vector<1x16xf32>,
        %get3A_293 = vector.shape_cast %get3A_292 : vector<1x16xf32> to vector<16xf32>
        %get3A_294 = arith.index_cast %add3A_207 : i32 to index
        %get3A_295 = arith.constant 48 : index
        %get3A_296 = tpu.vector_load %arg9[%get3A_294, %get3A_295] {strides = array<i32>} : memref<400x64xf32, #tpu.memory_space<vmem>>, vector<1x16xf32>,
        %get3A_297 = vector.shape_cast %get3A_296 : vector<1x16xf32> to vector<16xf32>
        %add3A_298 = arith.addf %get3A_297, %get3A_293 : vector<16xf32>
        %swap3A_299 = arith.index_cast %add3A_207 : i32 to index
        %swap3A_300 = arith.constant 48 : index
        %swap3A_301 = tpu.vector_load %arg9[%swap3A_299, %swap3A_300] {strides = array<i32>} : memref<400x64xf32, #tpu.memory_space<vmem>>, vector<1x16xf32>,
        %swap3A_302 = vector.shape_cast %swap3A_301 : vector<1x16xf32> to vector<16xf32>
        %swap3A_303 = vector.shape_cast %add3A_298 : vector<16xf32> to vector<1x16xf32>
        tpu.vector_store %arg9[%swap3A_299, %swap3A_300], %swap3A_303 {strides = array<i32>} : memref<400x64xf32, #tpu.memory_space<vmem>>, vector<1x16xf32>,
        %add3A_304 = arith.constant 200 : i32
        %add3A_305 = arith.addi %add3A_304, %add3A_207 : i32
        %get3A_306 = arith.index_cast %add3A_305 : i32 to index
        %get3A_307 = arith.constant 48 : index
        %get3A_308 = tpu.vector_load %arg9[%get3A_306, %get3A_307] {strides = array<i32>} : memref<400x64xf32, #tpu.memory_space<vmem>>, vector<1x16xf32>,
        %get3A_309 = vector.shape_cast %get3A_308 : vector<1x16xf32> to vector<16xf32>
        %add3A_310 = arith.addf %get3A_309, %get3A_293 : vector<16xf32>
        %add3A_311 = arith.constant 200 : i32
        %add3A_312 = arith.addi %add3A_311, %add3A_207 : i32
        %swap3A_313 = arith.index_cast %add3A_312 : i32 to index
        %swap3A_314 = arith.constant 48 : index
        %swap3A_315 = tpu.vector_load %arg9[%swap3A_313, %swap3A_314] {strides = array<i32>} : memref<400x64xf32, #tpu.memory_space<vmem>>, vector<1x16xf32>,
        %swap3A_316 = vector.shape_cast %swap3A_315 : vector<1x16xf32> to vector<16xf32>
        %swap3A_317 = vector.shape_cast %add3A_310 : vector<16xf32> to vector<1x16xf32>
        tpu.vector_store %arg9[%swap3A_313, %swap3A_314], %swap3A_317 {strides = array<i32>} : memref<400x64xf32, #tpu.memory_space<vmem>>, vector<1x16xf32>,
        %mul3A_318 = arith.constant 2 : i32
        %mul3A_319 = arith.muli %scan3A_203, %mul3A_318 : i32
        %add3A_320 = arith.constant 1 : i32
        %add3A_321 = arith.addi %mul3A_319, %add3A_320 : i32
        %get3A_322 = arith.index_cast %add3A_321 : i32 to index
        %get3A_323 = arith.constant 0 : index
        %get3A_324 = tpu.vector_load %arg7[%get3A_322, %get3A_323] {strides = array<i32>} : memref<200x64xf32, #tpu.memory_space<vmem>>, vector<1x16xf32>,
        %get3A_325 = vector.shape_cast %get3A_324 : vector<1x16xf32> to vector<16xf32>
        %get3A_326 = arith.index_cast %add3A_321 : i32 to index
        %get3A_327 = arith.constant 0 : index
        %get3A_328 = tpu.vector_load %arg9[%get3A_326, %get3A_327] {strides = array<i32>} : memref<400x64xf32, #tpu.memory_space<vmem>>, vector<1x16xf32>,
        %get3A_329 = vector.shape_cast %get3A_328 : vector<1x16xf32> to vector<16xf32>
        %add3A_330 = arith.addf %get3A_329, %get3A_325 : vector<16xf32>
        %swap3A_331 = arith.index_cast %add3A_321 : i32 to index
        %swap3A_332 = arith.constant 0 : index
        %swap3A_333 = tpu.vector_load %arg9[%swap3A_331, %swap3A_332] {strides = array<i32>} : memref<400x64xf32, #tpu.memory_space<vmem>>, vector<1x16xf32>,
        %swap3A_334 = vector.shape_cast %swap3A_333 : vector<1x16xf32> to vector<16xf32>
        %swap3A_335 = vector.shape_cast %add3A_330 : vector<16xf32> to vector<1x16xf32>
        tpu.vector_store %arg9[%swap3A_331, %swap3A_332], %swap3A_335 {strides = array<i32>} : memref<400x64xf32, #tpu.memory_space<vmem>>, vector<1x16xf32>,
        %add3A_336 = arith.constant 200 : i32
        %add3A_337 = arith.addi %add3A_336, %add3A_321 : i32
        %get3A_338 = arith.index_cast %add3A_337 : i32 to index
        %get3A_339 = arith.constant 0 : index
        %get3A_340 = tpu.vector_load %arg9[%get3A_338, %get3A_339] {strides = array<i32>} : memref<400x64xf32, #tpu.memory_space<vmem>>, vector<1x16xf32>,
        %get3A_341 = vector.shape_cast %get3A_340 : vector<1x16xf32> to vector<16xf32>
        %add3A_342 = arith.addf %get3A_341, %get3A_325 : vector<16xf32>
        %add3A_343 = arith.constant 200 : i32
        %add3A_344 = arith.addi %add3A_343, %add3A_321 : i32
        %swap3A_345 = arith.index_cast %add3A_344 : i32 to index
        %swap3A_346 = arith.constant 0 : index
        %swap3A_347 = tpu.vector_load %arg9[%swap3A_345, %swap3A_346] {strides = array<i32>} : memref<400x64xf32, #tpu.memory_space<vmem>>, vector<1x16xf32>,
        %swap3A_348 = vector.shape_cast %swap3A_347 : vector<1x16xf32> to vector<16xf32>
        %swap3A_349 = vector.shape_cast %add3A_342 : vector<16xf32> to vector<1x16xf32>
        tpu.vector_store %arg9[%swap3A_345, %swap3A_346], %swap3A_349 {strides = array<i32>} : memref<400x64xf32, #tpu.memory_space<vmem>>, vector<1x16xf32>,
        %get3A_350 = arith.index_cast %add3A_321 : i32 to index
        %get3A_351 = arith.constant 16 : index
        %get3A_352 = tpu.vector_load %arg7[%get3A_350, %get3A_351] {strides = array<i32>} : memref<200x64xf32, #tpu.memory_space<vmem>>, vector<1x16xf32>,
        %get3A_353 = vector.shape_cast %get3A_352 : vector<1x16xf32> to vector<16xf32>
        %get3A_354 = arith.index_cast %add3A_321 : i32 to index
        %get3A_355 = arith.constant 16 : index
        %get3A_356 = tpu.vector_load %arg9[%get3A_354, %get3A_355] {strides = array<i32>} : memref<400x64xf32, #tpu.memory_space<vmem>>, vector<1x16xf32>,
        %get3A_357 = vector.shape_cast %get3A_356 : vector<1x16xf32> to vector<16xf32>
        %add3A_358 = arith.addf %get3A_357, %get3A_353 : vector<16xf32>
        %swap3A_359 = arith.index_cast %add3A_321 : i32 to index
        %swap3A_360 = arith.constant 16 : index
        %swap3A_361 = tpu.vector_load %arg9[%swap3A_359, %swap3A_360] {strides = array<i32>} : memref<400x64xf32, #tpu.memory_space<vmem>>, vector<1x16xf32>,
        %swap3A_362 = vector.shape_cast %swap3A_361 : vector<1x16xf32> to vector<16xf32>
        %swap3A_363 = vector.shape_cast %add3A_358 : vector<16xf32> to vector<1x16xf32>
        tpu.vector_store %arg9[%swap3A_359, %swap3A_360], %swap3A_363 {strides = array<i32>} : memref<400x64xf32, #tpu.memory_space<vmem>>, vector<1x16xf32>,
        %add3A_364 = arith.constant 200 : i32
        %add3A_365 = arith.addi %add3A_364, %add3A_321 : i32
        %get3A_366 = arith.index_cast %add3A_365 : i32 to index
        %get3A_367 = arith.constant 16 : index
        %get3A_368 = tpu.vector_load %arg9[%get3A_366, %get3A_367] {strides = array<i32>} : memref<400x64xf32, #tpu.memory_space<vmem>>, vector<1x16xf32>,
        %get3A_369 = vector.shape_cast %get3A_368 : vector<1x16xf32> to vector<16xf32>
        %add3A_370 = arith.addf %get3A_369, %get3A_353 : vector<16xf32>
        %add3A_371 = arith.constant 200 : i32
        %add3A_372 = arith.addi %add3A_371, %add3A_321 : i32
        %swap3A_373 = arith.index_cast %add3A_372 : i32 to index
        %swap3A_374 = arith.constant 16 : index
        %swap3A_375 = tpu.vector_load %arg9[%swap3A_373, %swap3A_374] {strides = array<i32>} : memref<400x64xf32, #tpu.memory_space<vmem>>, vector<1x16xf32>,
        %swap3A_376 = vector.shape_cast %swap3A_375 : vector<1x16xf32> to vector<16xf32>
        %swap3A_377 = vector.shape_cast %add3A_370 : vector<16xf32> to vector<1x16xf32>
        tpu.vector_store %arg9[%swap3A_373, %swap3A_374], %swap3A_377 {strides = array<i32>} : memref<400x64xf32, #tpu.memory_space<vmem>>, vector<1x16xf32>,
        %get3A_378 = arith.index_cast %add3A_321 : i32 to index
        %get3A_379 = arith.constant 32 : index
        %get3A_380 = tpu.vector_load %arg7[%get3A_378, %get3A_379] {strides = array<i32>} : memref<200x64xf32, #tpu.memory_space<vmem>>, vector<1x16xf32>,
        %get3A_381 = vector.shape_cast %get3A_380 : vector<1x16xf32> to vector<16xf32>
        %get3A_382 = arith.index_cast %add3A_321 : i32 to index
        %get3A_383 = arith.constant 32 : index
        %get3A_384 = tpu.vector_load %arg9[%get3A_382, %get3A_383] {strides = array<i32>} : memref<400x64xf32, #tpu.memory_space<vmem>>, vector<1x16xf32>,
        %get3A_385 = vector.shape_cast %get3A_384 : vector<1x16xf32> to vector<16xf32>
        %add3A_386 = arith.addf %get3A_385, %get3A_381 : vector<16xf32>
        %swap3A_387 = arith.index_cast %add3A_321 : i32 to index
        %swap3A_388 = arith.constant 32 : index
        %swap3A_389 = tpu.vector_load %arg9[%swap3A_387, %swap3A_388] {strides = array<i32>} : memref<400x64xf32, #tpu.memory_space<vmem>>, vector<1x16xf32>,
        %swap3A_390 = vector.shape_cast %swap3A_389 : vector<1x16xf32> to vector<16xf32>
        %swap3A_391 = vector.shape_cast %add3A_386 : vector<16xf32> to vector<1x16xf32>
        tpu.vector_store %arg9[%swap3A_387, %swap3A_388], %swap3A_391 {strides = array<i32>} : memref<400x64xf32, #tpu.memory_space<vmem>>, vector<1x16xf32>,
        %add3A_392 = arith.constant 200 : i32
        %add3A_393 = arith.addi %add3A_392, %add3A_321 : i32
        %get3A_394 = arith.index_cast %add3A_393 : i32 to index
        %get3A_395 = arith.constant 32 : index
        %get3A_396 = tpu.vector_load %arg9[%get3A_394, %get3A_395] {strides = array<i32>} : memref<400x64xf32, #tpu.memory_space<vmem>>, vector<1x16xf32>,
        %get3A_397 = vector.shape_cast %get3A_396 : vector<1x16xf32> to vector<16xf32>
        %add3A_398 = arith.addf %get3A_397, %get3A_381 : vector<16xf32>
        %add3A_399 = arith.constant 200 : i32
        %add3A_400 = arith.addi %add3A_399, %add3A_321 : i32
        %swap3A_401 = arith.index_cast %add3A_400 : i32 to index
        %swap3A_402 = arith.constant 32 : index
        %swap3A_403 = tpu.vector_load %arg9[%swap3A_401, %swap3A_402] {strides = array<i32>} : memref<400x64xf32, #tpu.memory_space<vmem>>, vector<1x16xf32>,
        %swap3A_404 = vector.shape_cast %swap3A_403 : vector<1x16xf32> to vector<16xf32>
        %swap3A_405 = vector.shape_cast %add3A_398 : vector<16xf32> to vector<1x16xf32>
        tpu.vector_store %arg9[%swap3A_401, %swap3A_402], %swap3A_405 {strides = array<i32>} : memref<400x64xf32, #tpu.memory_space<vmem>>, vector<1x16xf32>,
        %get3A_406 = arith.index_cast %add3A_321 : i32 to index
        %get3A_407 = arith.constant 48 : index
        %get3A_408 = tpu.vector_load %arg7[%get3A_406, %get3A_407] {strides = array<i32>} : memref<200x64xf32, #tpu.memory_space<vmem>>, vector<1x16xf32>,
        %get3A_409 = vector.shape_cast %get3A_408 : vector<1x16xf32> to vector<16xf32>
        %get3A_410 = arith.index_cast %add3A_321 : i32 to index
        %get3A_411 = arith.constant 48 : index
        %get3A_412 = tpu.vector_load %arg9[%get3A_410, %get3A_411] {strides = array<i32>} : memref<400x64xf32, #tpu.memory_space<vmem>>, vector<1x16xf32>,
        %get3A_413 = vector.shape_cast %get3A_412 : vector<1x16xf32> to vector<16xf32>
        %add3A_414 = arith.addf %get3A_413, %get3A_409 : vector<16xf32>
        %swap3A_415 = arith.index_cast %add3A_321 : i32 to index
        %swap3A_416 = arith.constant 48 : index
        %swap3A_417 = tpu.vector_load %arg9[%swap3A_415, %swap3A_416] {strides = array<i32>} : memref<400x64xf32, #tpu.memory_space<vmem>>, vector<1x16xf32>,
        %swap3A_418 = vector.shape_cast %swap3A_417 : vector<1x16xf32> to vector<16xf32>
        %swap3A_419 = vector.shape_cast %add3A_414 : vector<16xf32> to vector<1x16xf32>
        tpu.vector_store %arg9[%swap3A_415, %swap3A_416], %swap3A_419 {strides = array<i32>} : memref<400x64xf32, #tpu.memory_space<vmem>>, vector<1x16xf32>,
        %add3A_420 = arith.constant 200 : i32
        %add3A_421 = arith.addi %add3A_420, %add3A_321 : i32
        %get3A_422 = arith.index_cast %add3A_421 : i32 to index
        %get3A_423 = arith.constant 48 : index
        %get3A_424 = tpu.vector_load %arg9[%get3A_422, %get3A_423] {strides = array<i32>} : memref<400x64xf32, #tpu.memory_space<vmem>>, vector<1x16xf32>,
        %get3A_425 = vector.shape_cast %get3A_424 : vector<1x16xf32> to vector<16xf32>
        %add3A_426 = arith.addf %get3A_425, %get3A_409 : vector<16xf32>
        %add3A_427 = arith.constant 200 : i32
        %add3A_428 = arith.addi %add3A_427, %add3A_321 : i32
        %swap3A_429 = arith.index_cast %add3A_428 : i32 to index
        %swap3A_430 = arith.constant 48 : index
        %swap3A_431 = tpu.vector_load %arg9[%swap3A_429, %swap3A_430] {strides = array<i32>} : memref<400x64xf32, #tpu.memory_space<vmem>>, vector<1x16xf32>,
        %swap3A_432 = vector.shape_cast %swap3A_431 : vector<1x16xf32> to vector<16xf32>
        %swap3A_433 = vector.shape_cast %add3A_426 : vector<16xf32> to vector<1x16xf32>
        tpu.vector_store %arg9[%swap3A_429, %swap3A_430], %swap3A_433 {strides = array<i32>} : memref<400x64xf32, #tpu.memory_space<vmem>>, vector<1x16xf32>,
      }
      %scan3A_191 = arith.constant 100 : i32
      %mul3A_192 = arith.constant 400 : i32
      %mul3A_193 = arith.muli %add3A_56, %mul3A_192 : i32
      %add3A_194 = arith.addi %multiple_of3A, %mul3A_193 : i32
      %dma_start3A_195 = arith.constant 0 : i32
      %dma_start3A_196 = tpu.memref_slice %arg5[%add3A_194, %dma_start3A_195] : memref<819200x128xf32, #tpu.memory_space<hbm>> -> memref<400x64xf32, #tpu.memory_space<hbm>>
      %dma_start3A_197 = arith.constant 0 : i32
      %dma_start3A_198 = tpu.memref_slice %arg5[%add3A_194, %dma_start3A_197] : memref<819200x128xf32, #tpu.memory_space<hbm>> -> memref<400x64xf32, #tpu.memory_space<hbm>>
      tpu.enqueue_dma source(%arg9 : memref<400x64xf32, #tpu.memory_space<vmem>>) target(%dma_start3A_198 : memref<400x64xf32, #tpu.memory_space<hbm>>) target_semaphore(%arg13 : memref<!tpu.dma_semaphore, #tpu.memory_space<semaphore_mem>>)
      %lt3A = arith.constant 31 : i32
      %lt3A_199 = arith.cmpi slt, %scan3A_50, %lt3A : i32
      %convert_element_type3A_200 = arith.extui %lt3A_199 : i1 to i32
      %cond3A_201 = arith.constant 0 : i32
      %cond3A_202 = arith.cmpi ne, %convert_element_type3A_200, %cond3A_201 : i32
      scf.if %cond3A_202 {
        %mul3A_203 = arith.constant 400 : i32
        %mul3A_204 = arith.muli %mul3A_52, %mul3A_203 : i32
        %add3A_205 = arith.addi %multiple_of3A, %mul3A_204 : i32
        %dma_wait3A_206 = arith.constant 0 : i32
        %dma_wait3A_207 = tpu.memref_slice %arg5[%add3A_205, %dma_wait3A_206] : memref<819200x128xf32, #tpu.memory_space<hbm>> -> memref<400x64xf32, #tpu.memory_space<hbm>>
        %dma_wait3A_208 = arith.constant 0 : i32
        %dma_wait3A_209 = tpu.memref_slice %arg5[%add3A_205, %dma_wait3A_208] : memref<819200x128xf32, #tpu.memory_space<hbm>> -> memref<400x64xf32, #tpu.memory_space<hbm>>
        tpu.wait_dma2 semaphore(%arg12 : memref<!tpu.dma_semaphore, #tpu.memory_space<semaphore_mem>>) src(%arg8 : memref<400x64xf32, #tpu.memory_space<vmem>>) dst(%dma_wait3A_209 : memref<400x64xf32, #tpu.memory_space<hbm>>)
        %add3A_210 = arith.constant 2 : i32
        %add3A_211 = arith.addi %mul3A_52, %add3A_210 : i32
        %mul3A_212 = arith.constant 400 : i32
        %mul3A_213 = arith.muli %add3A_211, %mul3A_212 : i32
        %add3A_214 = arith.constant 0 : i32
        %add3A_215 = arith.addi %mul3A_213, %add3A_214 : i32
        %dma_start3A_216 = arith.constant 0 : i32
        %dma_start3A_217 = arith.constant 0 : i32
        %dma_start3A_218 = tpu.memref_slice %arg8[%dma_start3A_216, %dma_start3A_217] : memref<400x64xf32, #tpu.memory_space<vmem>> -> memref<128x64xf32, #tpu.memory_space<vmem>>
        %dma_start3A_219 = tpu.memref_slice %arg6[%add3A_215] : memref<25600xi32, #tpu.memory_space<vmem>> -> memref<128xi32, #tpu.memory_space<vmem>>
        %dma_start3A_220 = arith.constant 0 : i32
        %dma_start3A_221 = arith.constant 0 : i32
        %dma_start3A_222 = tpu.memref_slice %arg3[%dma_start3A_220, %dma_start3A_221] : memref<1000000x64xf32, #tpu.memory_space<hbm>> -> memref<1000000x64xf32, #tpu.memory_space<hbm>>
        tpu.enqueue_indirect_dma source(%dma_start3A_222 : memref<1000000x64xf32, #tpu.memory_space<hbm>>) target(%dma_start3A_218 : memref<128x64xf32, #tpu.memory_space<vmem>>) offsets(%dma_start3A_219 : memref<128xi32, #tpu.memory_space<vmem>>) semaphore(%arg10 : memref<!tpu.dma_semaphore, #tpu.memory_space<semaphore_mem>>)
        %add3A_223 = arith.constant 128 : i32
        %add3A_224 = arith.addi %mul3A_213, %add3A_223 : i32
        %dma_start3A_225 = arith.constant 128 : i32
        %dma_start3A_226 = arith.constant 0 : i32
        %dma_start3A_227 = tpu.memref_slice %arg8[%dma_start3A_225, %dma_start3A_226] : memref<400x64xf32, #tpu.memory_space<vmem>> -> memref<128x64xf32, #tpu.memory_space<vmem>>
        %dma_start3A_228 = tpu.memref_slice %arg6[%add3A_224] : memref<25600xi32, #tpu.memory_space<vmem>> -> memref<128xi32, #tpu.memory_space<vmem>>
        %dma_start3A_229 = arith.constant 0 : i32
        %dma_start3A_230 = arith.constant 0 : i32
        %dma_start3A_231 = tpu.memref_slice %arg3[%dma_start3A_229, %dma_start3A_230] : memref<1000000x64xf32, #tpu.memory_space<hbm>> -> memref<1000000x64xf32, #tpu.memory_space<hbm>>
        tpu.enqueue_indirect_dma source(%dma_start3A_231 : memref<1000000x64xf32, #tpu.memory_space<hbm>>) target(%dma_start3A_227 : memref<128x64xf32, #tpu.memory_space<vmem>>) offsets(%dma_start3A_228 : memref<128xi32, #tpu.memory_space<vmem>>) semaphore(%arg10 : memref<!tpu.dma_semaphore, #tpu.memory_space<semaphore_mem>>)
        %add3A_232 = arith.constant 256 : i32
        %add3A_233 = arith.addi %mul3A_213, %add3A_232 : i32
        %dma_start3A_234 = arith.constant 256 : i32
        %dma_start3A_235 = arith.constant 0 : i32
        %dma_start3A_236 = tpu.memref_slice %arg8[%dma_start3A_234, %dma_start3A_235] : memref<400x64xf32, #tpu.memory_space<vmem>> -> memref<72x64xf32, #tpu.memory_space<vmem>>
        %dma_start3A_237 = tpu.memref_slice %arg6[%add3A_233] : memref<25600xi32, #tpu.memory_space<vmem>> -> memref<72xi32, #tpu.memory_space<vmem>>
        %dma_start3A_238 = arith.constant 0 : i32
        %dma_start3A_239 = arith.constant 0 : i32
        %dma_start3A_240 = tpu.memref_slice %arg3[%dma_start3A_238, %dma_start3A_239] : memref<1000000x64xf32, #tpu.memory_space<hbm>> -> memref<1000000x64xf32, #tpu.memory_space<hbm>>
        tpu.enqueue_indirect_dma source(%dma_start3A_240 : memref<1000000x64xf32, #tpu.memory_space<hbm>>) target(%dma_start3A_236 : memref<72x64xf32, #tpu.memory_space<vmem>>) offsets(%dma_start3A_237 : memref<72xi32, #tpu.memory_space<vmem>>) semaphore(%arg10 : memref<!tpu.dma_semaphore, #tpu.memory_space<semaphore_mem>>)
        %add3A_241 = arith.constant 328 : i32
        %add3A_242 = arith.addi %mul3A_213, %add3A_241 : i32
        %dma_start3A_243 = arith.constant 328 : i32
        %dma_start3A_244 = arith.constant 0 : i32
        %dma_start3A_245 = tpu.memref_slice %arg8[%dma_start3A_243, %dma_start3A_244] : memref<400x64xf32, #tpu.memory_space<vmem>> -> memref<72x64xf32, #tpu.memory_space<vmem>>
        %dma_start3A_246 = tpu.memref_slice %arg6[%add3A_242] : memref<25600xi32, #tpu.memory_space<vmem>> -> memref<72xi32, #tpu.memory_space<vmem>>
        %dma_start3A_247 = arith.constant 0 : i32
        %dma_start3A_248 = arith.constant 0 : i32
        %dma_start3A_249 = tpu.memref_slice %arg3[%dma_start3A_247, %dma_start3A_248] : memref<1000000x64xf32, #tpu.memory_space<hbm>> -> memref<1000000x64xf32, #tpu.memory_space<hbm>>
        tpu.enqueue_indirect_dma source(%dma_start3A_249 : memref<1000000x64xf32, #tpu.memory_space<hbm>>) target(%dma_start3A_245 : memref<72x64xf32, #tpu.memory_space<vmem>>) offsets(%dma_start3A_246 : memref<72xi32, #tpu.memory_space<vmem>>) semaphore(%arg10 : memref<!tpu.dma_semaphore, #tpu.memory_space<semaphore_mem>>)
      } else {
      }
    }
    %scan3A_38 = arith.constant 32 : i32
    %add3A_39 = arith.constant 24800 : i32
    %add3A_40 = arith.addi %multiple_of3A, %add3A_39 : i32
    %dma_wait3A = arith.constant 0 : i32
    %dma_wait3A_41 = tpu.memref_slice %arg5[%add3A_40, %dma_wait3A] : memref<819200x128xf32, #tpu.memory_space<hbm>> -> memref<400x64xf32, #tpu.memory_space<hbm>>
    %dma_wait3A_42 = arith.constant 0 : i32
    %dma_wait3A_43 = tpu.memref_slice %arg5[%add3A_40, %dma_wait3A_42] : memref<819200x128xf32, #tpu.memory_space<hbm>> -> memref<400x64xf32, #tpu.memory_space<hbm>>
    tpu.wait_dma2 semaphore(%arg12 : memref<!tpu.dma_semaphore, #tpu.memory_space<semaphore_mem>>) src(%arg8 : memref<400x64xf32, #tpu.memory_space<vmem>>) dst(%dma_wait3A_43 : memref<400x64xf32, #tpu.memory_space<hbm>>)
    %add3A_44 = arith.constant 25200 : i32
    %add3A_45 = arith.addi %multiple_of3A, %add3A_44 : i32
    %dma_wait3A_46 = arith.constant 0 : i32
    %dma_wait3A_47 = tpu.memref_slice %arg5[%add3A_45, %dma_wait3A_46] : memref<819200x128xf32, #tpu.memory_space<hbm>> -> memref<400x64xf32, #tpu.memory_space<hbm>>
    %dma_wait3A_48 = arith.constant 0 : i32
    %dma_wait3A_49 = tpu.memref_slice %arg5[%add3A_45, %dma_wait3A_48] : memref<819200x128xf32, #tpu.memory_space<hbm>> -> memref<400x64xf32, #tpu.memory_space<hbm>>
    tpu.wait_dma2 semaphore(%arg13 : memref<!tpu.dma_semaphore, #tpu.memory_space<semaphore_mem>>) src(%arg9 : memref<400x64xf32, #tpu.memory_space<vmem>>) dst(%dma_wait3A_49 : memref<400x64xf32, #tpu.memory_space<hbm>>)
    return
  }
}

</mosaic_0001>

<sc_bundles>
// kernel: kernel.3.cloned.1.call-start
scs
__scs_entry_jumppad:
0x0: {  	(pc) =	sbr.rel $0x88, $3  }
0x1: {  	(tag) =	ssettag $0x0;
	lr =	simm.s32 $0x1  }
0x2: {  	[smem:$0x3F9D] =	sst lr;
	_ =	strace $0xD0000000  }
0x3: {  	_ = 	snop  }
0x4: {  	_ = 	snop  }
0x5: {  	_ = 	snop  }
0x6: {  	_ = 	snop  }
0x7: {  	_ = 	snop  }
__scs_overlays_trampoline_lowered:
0x8: {  	[smem:$0x3FAC] =	sst s0  }
0x9: {  	[smem:$0x3FAD] =	sst s1  }
0xa: {  	[smem:$0x3FAE] =	sst s2  }
0xb: {  	[smem:$0x3FAF] =	sst s3  }
0xc: {  	[smem:$0x3FB0] =	sst s4  }
0xd: {  	[smem:$0x3FB1] =	sst s5  }
0xe: {  	[smem:$0x3FB2] =	sst s6  }
0xf: {  	[smem:$0x3FB3] =	sst s7  }
0x10: {  	[smem:$0x3FB4] =	sst s8  }
0x11: {  	[smem:$0x3FB5] =	sst s9;
	s0 =	simm.s32 @!p0 $0x0  }
0x12: {  	s1 =	sld [smem:$0x3F9B];
	s0 =	simm.s32 @p0 $0x1  }
0x13: {  	[smem:$0x3FB6] =	sst s0;
	s0 =	simm.s32 @!p1 $0x0  }
0x14: {  	s2 =	sld [smem:$0x3F9A];
	s0 =	simm.s32 @p1 $0x1  }
0x15: {  	[smem:$0x3FB7] =	sst s0;
	s0 =	simm.s32 @!p2 $0x0  }
0x16: {  	s3 =	sld [smem:$0x3FDB];
	s0 =	simm.s32 @p2 $0x1  }
0x17: {  	s4 =	simm.s32 $0x1BF5;
	[smem:$0x3FB9] =	sst s0  }
0x18: {  	s0 =	sld [smem:$0x3F9C];
	_ =	swait.ge [sflag:s4], $0x0  }
0x19: {  	s7 =	sld [smem:$0x3F9D]  }
0x1a: {  	s8 =	sadd.s32 $0xFFFFE003, lr  }
0x1b: {  	s9 =	sadd.s32 $0xFFFFFEF7, lr;
	s5 =	simm.s32 $0xFFFFFFFF;
	p2 =	slt.u32 s8, $0xFFFFF086  }
0x1c: {  	p1 =	slt.u32 s9, $0xF7A;
	s5 =	simm.s32 @!p2 $0x0  }
0x1d: {  	s5 =	simm.s32 @p1 $0x1;
	p0 =	seq.s32 s7, s2  }
0x1e: {  	s7 =	smul.u32 @!p0 $0xF7A, s2;
	p2 =	seq.s32 @!p0 s5, $0x0  }
0x1f: {  	s9 =	smul.u32 $0xF7A, s1;
	s8 =	simm.s32 @!p0 $0x1BF5;
	p2 =	por !p2, p0  }
0x20: {  	[sflag:s8] =	ssyncset.s32 @!p0 $0xFFFFF086;
	s6 =	sadd.s32 @!p0 s3, s7;
	s7 =	simm.s32 @!p0 $0x108  }
0x21: {  	s3 =	sadd.s32 s3, s9;
	s6 =	sadd.s32 @!p0 $0x88, s6;
	s7 =	simm.s32 @p2 $0x1082  }
0x22: {  	[simem:s7], [sflag:s8] =	dma.local @!p0 [hbm:s6], $0xF7A  }
0x23: {  	s9 =	sor.u32 $0xD0000000, s2;
	s6 =	simm.s32 $0x108;
	_ =	swait.ge @!p0 [sflag:s8], $0x0  }
0x24: {  	s3 =	sadd.s32 $0x88, s3;
	s6 =	simm.s32 @!p1 $0x1082;
	[sflag:s4] =	ssyncset.s32 $0xFFFFF086  }
0x25: {  	[simem:s6], [sflag:s4] =	dma.local [hbm:s3], $0xF7A  }
0x26: {  	[smem:$0x3F9D] =	sst s1;
	(tag) =	ssettag s2;
	_ =	strace s9  }
0x27: {  	s1 =	sld [smem:$0x3FAD]  }
0x28: {  	s2 =	sld [smem:$0x3FAE]  }
0x29: {  	s4 =	sld [smem:$0x3FB0]  }
0x2a: {  	p0 =	seq.s32 s5, $0x0;
	s5 =	sld [smem:$0x3FB1]  }
0x2b: {  	s6 =	sld [smem:$0x3FB2]  }
0x2c: {  	s7 =	sld [smem:$0x3FB3]  }
0x2d: {  	s3 =	simm.s32 $0x108;
	s8 =	sld [smem:$0x3FB4]  }
0x2e: {  	s3 =	simm.s32 @!p0 $0x1082;
	s9 =	sld [smem:$0x3FB5]  }
0x2f: {  	lr =	sadd.s32 s0, s3;
	s0 =	sld [smem:$0x3FAC]  }
0x30: {  	s3 =	sld [smem:$0x3FAF]  }
0x31: {  	[smem:$0x3FB8] =	sst s10  }
0x32: {  	s10 =	sld [smem:$0x3FB6];
	_ =	sdelay $0x3  }
0x33: {  	p0 =	seq.s32 s10, $0x1;
	s10 =	sld [smem:$0x3FB8];
	_ =	sdelay $0x3  }
0x34: {  	[smem:$0x3FB8] =	sst s10  }
0x35: {  	s10 =	sld [smem:$0x3FB7];
	_ =	sdelay $0x3  }
0x36: {  	p1 =	seq.s32 s10, $0x1;
	s10 =	sld [smem:$0x3FB8];
	_ =	sdelay $0x3  }
0x37: {  	[smem:$0x3FB8] =	sst s10  }
0x38: {  	s10 =	sld [smem:$0x3FB9]  }
0x39: {  	_ = 	snop;
	(pc) =	sbr.ind lr, $3  }
0x3a: {  	_ = 	snop  }
0x3b: {  	_ = 	snop  }
0x3c: {  	p2 =	seq.s32 s10, $0x1;
	s10 =	sld [smem:$0x3FB8]  }
0x3d: {  	_ =	shalt  }
0x3e: {  	_ =	shalt  }
0x3f: {  	_ =	shalt  }
0x40: {  	_ =	shalt  }
0x41: {  	_ =	shalt  }
0x42: {  	_ =	shalt  }
0x43: {  	_ =	shalt  }
0x44: {  	_ =	shalt  }
0x45: {  	_ =	shalt  }
0x46: {  	_ =	shalt  }
0x47: {  	_ =	shalt  }
0x48: {  	_ =	shalt  }
0x49: {  	_ =	shalt  }
0x4a: {  	_ =	shalt  }
0x4b: {  	_ =	shalt  }
0x4c: {  	_ =	shalt  }
0x4d: {  	_ =	shalt  }
0x4e: {  	_ =	shalt  }
0x4f: {  	_ =	shalt  }
0x50: {  	_ =	shalt  }
0x51: {  	_ =	shalt  }
0x52: {  	_ =	shalt  }
0x53: {  	_ =	shalt  }
0x54: {  	_ =	shalt  }
0x55: {  	_ =	shalt  }
0x56: {  	_ =	shalt  }
0x57: {  	_ =	shalt  }
0x58: {  	_ =	shalt  }
0x59: {  	_ =	shalt  }
0x5a: {  	_ =	shalt  }
0x5b: {  	_ =	shalt  }
0x5c: {  	_ =	shalt  }
0x5d: {  	_ =	shalt  }
0x5e: {  	_ =	shalt  }
0x5f: {  	_ =	shalt  }
0x60: {  	_ =	shalt  }
0x61: {  	_ =	shalt  }
0x62: {  	_ =	shalt  }
0x63: {  	_ =	shalt  }
0x64: {  	_ =	shalt  }
0x65: {  	_ =	shalt  }
0x66: {  	_ =	shalt  }
0x67: {  	_ =	shalt  }
0x68: {  	_ =	shalt  }
0x69: {  	_ =	shalt  }
0x6a: {  	_ =	shalt  }
0x6b: {  	_ =	shalt  }
0x6c: {  	_ =	shalt  }
0x6d: {  	_ =	shalt  }
0x6e: {  	_ =	shalt  }
0x6f: {  	_ =	shalt  }
0x70: {  	_ =	shalt  }
0x71: {  	_ =	shalt  }
0x72: {  	_ =	shalt  }
0x73: {  	_ =	shalt  }
0x74: {  	_ =	shalt  }
0x75: {  	_ =	shalt  }
0x76: {  	_ =	shalt  }
0x77: {  	_ =	shalt  }
0x78: {  	_ =	shalt  }
0x79: {  	_ =	shalt  }
0x7a: {  	_ =	shalt  }
0x7b: {  	_ =	shalt  }
0x7c: {  	_ =	shalt  }
0x7d: {  	_ =	shalt  }
0x7e: {  	_ =	shalt  }
0x7f: {  	_ =	shalt  }
0x80: {  	_ =	shalt  }
0x81: {  	_ =	shalt  }
0x82: {  	_ =	shalt  }
0x83: {  	_ =	shalt  }
0x84: {  	_ =	shalt  }
0x85: {  	_ =	shalt  }
0x86: {  	_ =	shalt  }
0x87: {  	_ =	shalt  }
.Lfunc_end0:
.L_simem_size_0:
called_computation.1_lowered:
.L_overlay_start_0:
0x88: {  	s2 =	sld [smem:$0x3FD9]  }
0x89: {  	s3 =	sld [smem:$0x3FFE];
	_ =	sdelay $0x1  }
0x8a: {  	s1 =	srdreg.scid  }
0x8b: {  	s0 =	sand.u32 $0x1, s1  }
0x8c: {  	s14 =	sshll.u32 s0, $0xA;
	s2 =	sadd.s32 s3, s2  }
0x8d: {  	s2 =	sadd.s32 s2, s14  }
0x8e: {  	[smem:$0x3FC4] =	sst s2  }
0x8f: {  	_ = 	snop  }
0x90: {  	s2 =	sld [smem:$0x3FD0];
	_ =	sdelay $0x2  }
0x91: {  	s15 =	simm.s32 $0xA;
	s4 =	simm.s32 $0x10  }
0x92: {  	[smem:s4], [sflag:s15] =	dma.local [hbm:s2], $0x1  }
0x93: {  	_ =	swait.eq [sflag:s15], $0x1  }
0x94: {  	[sflag:s15] =	ssyncset.done $0x0  }
0x95: {  	s16 =	sld [smem:$0x10];
	[sflag:s15] =	ssyncadd.s32 $0xFFFFFFFF  }
0x96: {  	s17 =	sld [smem:$0x11];
	(tm) =	ssettm $0x1  }
0x97: {  	s18 =	sld [smem:$0x3FFB];
	_ =	sdelay $0x3  }
0x98: {  	_ =	strace s18  }
0x99: {  	s4 =	sld [smem:$0x3FFC];
	_ =	sdelay $0x3  }
0x9a: {  	_ =	strace s4  }
0x9b: {  	s4 =	sld [smem:$0x3FFD];
	_ =	sdelay $0x3  }
0x9c: {  	_ =	strace s4  }
0x9d: {  	_ =	strace $0x8FFFFFFF  }
0x9e: {  	s19 =	sld [smem:$0x3FDB];
	_ =	sdelay $0x1  }
0x9f: {  	s5 =	simm.s32 $_scs_section_size  }
0xa0: {  	s6 =	simm.s32 $_size__tile_overlayer_lowered;
	s7 =	simm.s32 $_tile_overlayer_lowered  }
0xa1: {  	s22 =	simm.s32 $0x1BFF;
	s21 =	sshll.u32 s7, $0x1;
	s4 =	sadd.s32 s5, s19  }
0xa2: {  	s8 =	simm.s32 $0x0;
	s20 =	sshll.u32 s6, $0x1;
	s6 =	sadd.s32 s21, s4  }
0xa3: {  	[timem:s8], [sflag:s22] =	dma.local [hbm:s6], s20  }
0xa4: {  	_ =	swait.ge [sflag:s22], s20  }
0xa5: {  	s5 =	ssub.s32 $0x0, s20;
	[sflag:s22] =	ssyncset.done $0x0  }
0xa6: {  	[sflag:s22] =	ssyncadd.s32 s5;
	_ =	sdelay $0x1  }
0xa7: {  	s23 =	simm.s32 $0x1B8B  }
0xa8: {  	_ =	swait.ge [sflag:s23], $0x1  }
0xa9: {  	[sflag:s23] =	ssyncset.done $0x0  }
0xaa: {  	s25 =	simm.s32 $0x1B8E;
	s24 =	sld [smem:$0x3FFE];
	[sflag:s23] =	ssyncadd.s32 $0xFFFFFFFF  }
0xab: {  	s26 =	simm.s32 $execute0_lowered;
	[smem:$0x3FD2] =	sst s25  }
0xac: {  	s6 =	sshll.u32 s26, $0x1;
	_ =	strace $0x80000046;
	[dreg:$0x1] =	wrdreg $0xFFFFFFFF  }
0xad: {  	s28 =	simm.s32 $_size_execute0_lowered;
	s4 =	sadd.s32 s4, s6;
	[dreg:$0x0] =	wrdreg $0x0  }
0xae: {  	s6 =	sshll.u32 s28, $0x1;
	[dreg:$0x2] =	wrdreg s4  }
0xaf: {  	[dreg:$0x3] =	wrdreg s6  }
0xb0: {  	[dreg:$0x4] =	wrdreg $0xC0  }
0xb1: {  	_ =	task [dreg:s8], $0x5FFFF  }
0xb2: {  	[dreg:$0x1] =	wrdreg $0xFFFFFFFF  }
0xb3: {  	[dreg:$0x0] =	wrdreg $0x60  }
0xb4: {  	[dreg:$0x2] =	wrdreg s16  }
0xb5: {  	[dreg:$0x3] =	wrdreg s24  }
0xb6: {  	[dreg:$0x4] =	wrdreg s17  }
0xb7: {  	[dreg:$0x5] =	wrdreg $0x9  }
0xb8: {  	_ =	task.clear_ibuf [dreg:s8], $0x6FFFF;
	_ =	strace $0x90000046  }
0xb9: {  	s29 =	simm.s32 $0x9;
	_ =	strace $0x80000048  }
0xba: {  	_ =	swait.ge [sflag:s29], $0x1  }
0xbb: {  	[sflag:s29] =	ssyncadd.s32 $0xFFFFFFFF  }
0xbc: {  	_ =	strace $0x90000048  }
0xbd: {  	_ =	sfence  }
0xbe: {  	s30 =	sld [smem:$0x0];
	_ =	sdelay $0x2  }
0xbf: {  	s31 =	sshll.u32 s1, $0xD;
	s1 =	sshrl.u32 s1, $0x2  }
0xc0: {  	s3 =	sand.u32 $0x4000, s31;
	s1 =	sadd.s32 s1, s30  }
0xc1: {  	s0 =	sor.u32 s3, s0;
	s1 =	sshll.u32 s1, $0x11  }
0xc2: {  	s0 =	sor.u32 s1, s0  }
0xc3: {  	s0 =	sadd.s32 $0x8F2B, s0  }
0xc4: {  	[sflag:s0] =	ssyncadd.remote.s32 $0x1  }
0xc5: {  	_ =	sfence.sel $0xFFFF  }
0xc6: {  	[dreg:$0x0] =	wrdreg $0xFFFFFFFF;
	(pc) =	sbr.abs _section_cstart, $3  }
0xc7: {  	[dreg:$0x1] =	wrdreg $0xFFFFFFFF  }
0xc8: {  	_ =	task.clear_ibuf [dreg:s8], $0x2FFFF;
	_ =	strace $0x9FFFFFFF  }
0xc9: {  	(tm) =	ssettm $0x7FFFFFFF  }
tec
execute0_lowered:
.L_overlay_start_1:
0x0: {  	(tag) =	ssettag $0x1  }
0x1: {  	s0 =	rddreg [dreg:$0x0]  }
0x2: {  	s1 =	rddreg [dreg:$0x1];
	s2 =	srdreg.scid  }
0x3: {  	s3 =	stileid.u32;
	s9 =	simm.s32 $0x5;
	s11 =	simm.s32 $0x80  }
0x4: {  	s12 =	simm.s32 $0x9600;
	s13 =	simm.s32 $0xB600;
	s14 =	simm.s32 $0x48  }
0x5: {  	s15 =	simm.s32 $0x100;
	s16 =	simm.s32 $0xD600;
	s17 =	simm.s32 $0x148  }
0x6: {  	s18 =	simm.s32 $0xE800;
	s19 =	simm.s32 $0xFA00;
	s20 =	simm.s32 $0x11A00  }
0x7: {  	s21 =	simm.s32 $0x13A00;
	s22 =	simm.s32 $0x14C00;
	s23 =	simm.s32 $0x1  }
0x8: {  	s24 =	simm.s32 $0x40;
	s25 =	simm.s32 $0x2;
	s26 =	simm.s32 $0x3  }
0x9: {  	s28 =	simm.s32 $0x4;
	s2 =	sand.u32 $0x1, s2;
	s4 =	sshll.u32 s3, $0x1  }
.Ltmp0:
0xa: {  	s29 =	simm.s32 $0x0;
	s4 =	sor.u32 s2, s4;
	(pc) =	sbr.rel .LBB2_1-.Ltmp0, $4  }
0xb: {  	s3 =	simm.s32 $0x0;
	s2 =	ssub.s32 $0x2, s2;
	s4 =	smul.u32 $0x6400, s4  }
0xc: {  	s5 =	sadd.s32 $0xF43200, s1;
	s6 =	sadd.s32 $0xE00, s1;
	s7 =	sshrl.u32 s2, $0x1  }
0xd: {  	[smem:$0x7FF] =	sst s3;
	s31 =	ssub.s32 s2, s7;
	s8 =	sshrl.u32 s4, $0x3  }
0xe: {  	_ =	strace $0x80000047;
	s7 =	sadd.s32 s0, s8;
	s8 =	smax.u32 s31, $0x1  }
.LBB2_8:
0xf: {  	s29 =	sadd.s32 $0x1, s29  }
0x10: {  	p0 =	sne.s32 s29, s8  }
.Ltmp1:
0x11: {  	_ = 	snop;
	(pc) =	sbr.rel @!p0 .LBB2_9-.Ltmp1, $4  }
0x12: {  	_ = 	snop  }
0x13: {  	_ =	swait.ge [sflag:s28], $0x6400  }
0x14: {  	[sflag:s28] =	ssyncset.done $0x0  }
0x15: {  	[sflag:s28] =	ssyncadd.s32 $0xFFFF9C00  }
.LBB2_1:
0x16: {  	[tilespmem:s3], [sflag:$0x5] =	stream.linear.gather [hbm4b:s7+s3], $0x6400, $0x38;
	[tilespmem:$0x15E00] =	vst v63  }
0x17: {  	_ =	swait.ge [sflag:s9], $0x6400  }
0x18: {  	[sflag:s9] =	ssyncset.done $0x0  }
0x19: {  	[sflag:s9] =	ssyncadd.s32 $0xFFFF9C00  }
0x1a: {  	s1 =	simm.s32 $0x6400;
	s0 =	rddreg [dreg:$0x2]  }
0x1b: {  	[tilespmem:s1], [sflag:$0x5] =	stream.linear.gather [hbm4b:s0+s3], $0x3200, $0x38;
	[tilespmem:$0x15E00] =	vst v63  }
0x1c: {  	_ =	swait.ge [sflag:s9], $0x3200  }
0x1d: {  	[sflag:s9] =	ssyncset.done $0x0  }
0x1e: {  	[sflag:s9] =	ssyncadd.s32 $0xFFFFCE00  }
0x1f: {  	[tilespmem:s12], [sflag:$0x1] =	stream.indirect.gather [hbm4b:s5+s11], $0x40, s3, s11, $0xb8;
	[tilespmem:$0x15E00] =	vst v63  }
0x20: {  	_ = 	snop  }
0x21: {  	[tilespmem:s13], [sflag:$0x1] =	stream.indirect.gather [hbm4b:s5+s11], $0x40, s11, s11, $0xb8;
	[tilespmem:$0x15E00] =	vst v63  }
0x22: {  	_ = 	snop  }
0x23: {  	[tilespmem:s16], [sflag:$0x1] =	stream.indirect.gather [hbm4b:s5+s14], $0x40, s15, s14, $0xb8;
	[tilespmem:$0x15E00] =	vst v63  }
0x24: {  	s30 =	simm.s32 $0x0  }
0x25: {  	[tilespmem:s18], [sflag:$0x1] =	stream.indirect.gather [hbm4b:s5+s14], $0x40, s17, s14, $0xb8;
	[tilespmem:$0x15E00] =	vst v63  }
.LBB2_2:
0x26: {  	p0 =	seq.s32 s30, $0x0  }
0x27: {  	s0 =	simm.s32 @!p0 $0x4  }
0x28: {  	s31 =	smul.u32 $0x320, s30;
	_ =	swait.ge @!p0 [sflag:s0], $0x6400  }
0x29: {  	[sflag:s0] =	ssyncset.done @!p0 $0x0  }
0x2a: {  	s1 =	sadd.s32 $0x190, s31;
	[sflag:s0] =	ssyncadd.s32 @!p0 $0xFFFF9C00  }
0x2b: {  	[tilespmem:s19], [sflag:$0x2] =	stream.indirect.gather [hbm4b:s5+s11], $0x40, s1, s11, $0xb8;
	[tilespmem:$0x15E00] =	vst v63  }
0x2c: {  	s10 =	sadd.s32 $0x210, s31  }
0x2d: {  	[tilespmem:s20], [sflag:$0x2] =	stream.indirect.gather [hbm4b:s5+s11], $0x40, s10, s11, $0xb8;
	[tilespmem:$0x15E00] =	vst v63  }
0x2e: {  	s2 =	sadd.s32 $0x290, s31  }
0x2f: {  	[tilespmem:s21], [sflag:$0x2] =	stream.indirect.gather [hbm4b:s5+s14], $0x40, s2, s14, $0xb8;
	[tilespmem:$0x15E00] =	vst v63  }
0x30: {  	s10 =	sadd.s32 $0x2D8, s31  }
0x31: {  	[tilespmem:s22], [sflag:$0x2] =	stream.indirect.gather [hbm4b:s5+s14], $0x40, s10, s14, $0xb8;
	[tilespmem:$0x15E00] =	vst v63  }
0x32: {  	_ =	swait.ge [sflag:s23], $0x2000  }
0x33: {  	[sflag:s23] =	ssyncset.done $0x0  }
0x34: {  	[sflag:s23] =	ssyncadd.s32 $0xFFFFE000  }
0x35: {  	_ =	swait.ge [sflag:s23], $0x2000  }
0x36: {  	[sflag:s23] =	ssyncset.done $0x0  }
0x37: {  	[sflag:s23] =	ssyncadd.s32 $0xFFFFE000  }
0x38: {  	_ =	swait.ge [sflag:s23], $0x1200  }
0x39: {  	[sflag:s23] =	ssyncset.done $0x0  }
0x3a: {  	[sflag:s23] =	ssyncadd.s32 $0xFFFFEE00  }
0x3b: {  	_ =	swait.ge [sflag:s23], $0x1200  }
0x3c: {  	[sflag:s23] =	ssyncset.done $0x0  }
0x3d: {  	s0 =	simm.s32 $0x0;
	[sflag:s23] =	ssyncadd.s32 $0xFFFFEE00  }
0x3e: {  	v3 =	vld [tilespmem:s0+$0x6400]  }
0x3f: {  	v4 =	vld [tilespmem:s0+$0x6410]  }
0x40: {  	v5 =	vld [tilespmem:s0+$0x6420]  }
0x41: {  	v6 =	vld [tilespmem:s0+$0x6430]  }
0x42: {  	v7 =	vld [tilespmem:s0+$0x6440]  }
0x43: {  	v2 =	vld [tilespmem:s0+$0x6450]  }
0x44: {  	v1 =	vld [tilespmem:s0+$0x6460]  }
0x45: {  	v0 =	vld [tilespmem:s0+$0x6470]  }
0x46: {  	v8 =	vld [tilespmem:s0+$0x9600]  }
0x47: {  	v9 =	vld [tilespmem:s0+$0xC800]  }
0x48: {  	v10 =	vld [tilespmem:s0+$0x9610]  }
0x49: {  	v11 =	vld [tilespmem:s0+$0xC810]  }
0x4a: {  	v12 =	vld [tilespmem:s0+$0x9620]  }
0x4b: {  	v13 =	vld [tilespmem:s0+$0xC820];
	v8 =	vadd.f32 v8, v3  }
0x4c: {  	v14 =	vld [tilespmem:s0+$0x9630];
	v3 =	vadd.f32 v9, v3  }
0x4d: {  	v9 =	vadd.f32 v10, v4;
	[tilespmem:s0+$0x9600] =	vst v8;
	v8 =	vld [tilespmem:s0+$0xC830]  }
0x4e: {  	v10 =	vld [tilespmem:s0+$0x9640];
	[tilespmem:s0+$0xC800] =	vst v3;
	v3 =	vadd.f32 v11, v4  }
0x4f: {  	[tilespmem:s0+$0x9610] =	vst v9;
	v11 =	vld [tilespmem:s0+$0xC840];
	v9 =	vadd.f32 v12, v5  }
0x50: {  	v4 =	vld [tilespmem:s0+$0x9650];
	v5 =	vadd.f32 v13, v5;
	[tilespmem:s0+$0xC810] =	vst v3  }
0x51: {  	[tilespmem:s0+$0x9620] =	vst v9;
	v3 =	vld [tilespmem:s0+$0xC850];
	v9 =	vadd.f32 v14, v6  }
0x52: {  	[tilespmem:s0+$0xC820] =	vst v5;
	v5 =	vld [tilespmem:s0+$0x9660];
	v8 =	vadd.f32 v8, v6  }
0x53: {  	[tilespmem:s0+$0x9630] =	vst v9;
	v9 =	vadd.f32 v10, v7;
	v6 =	vld [tilespmem:s0+$0xC860]  }
0x54: {  	s2 =	simm.s32 $0x200;
	[tilespmem:s0+$0xC830] =	vst v8;
	v8 =	vadd.f32 v11, v7;
	v7 =	vld [tilespmem:s0+$0x9670]  }
.LBB2_3:
0x55: {  	s10 =	sshra.s32 s2, $0x2;
	p0 =	sne.s32 s2, $0xC600;
	[tilespmem:s0+$0x9640] =	vst v9;
	v4 =	vadd.f32 v4, v2;
	v9 =	vld [tilespmem:s0+$0xC870]  }
0x56: {  	v10 =	vld [tilespmem:s10+$0x6400];
	[tilespmem:s0+$0xC840] =	vst v8;
	v2 =	vadd.f32 v3, v2  }
0x57: {  	v3 =	vld [tilespmem:s10+$0x6410];
	[tilespmem:s0+$0x9650] =	vst v4;
	v4 =	vadd.f32 v5, v1  }
0x58: {  	v5 =	vld [tilespmem:s10+$0x6420];
	[tilespmem:s0+$0xC850] =	vst v2;
	v1 =	vadd.f32 v6, v1  }
0x59: {  	v6 =	vld [tilespmem:s10+$0x6430];
	[tilespmem:s0+$0x9660] =	vst v4;
	v4 =	vadd.f32 v7, v0  }
0x5a: {  	v7 =	vld [tilespmem:s10+$0x6440];
	[tilespmem:s0+$0xC860] =	vst v1;
	v0 =	vadd.f32 v9, v0  }
0x5b: {  	v2 =	vld [tilespmem:s10+$0x6450];
	[tilespmem:s0+$0x9670] =	vst v4  }
0x5c: {  	v1 =	vld [tilespmem:s10+$0x6460];
	[tilespmem:s0+$0xC870] =	vst v0;
	s0 =	smov.u32 s10  }
0x5d: {  	v0 =	vld [tilespmem:s0+$0x6470]  }
0x5e: {  	v4 =	vld [tilespmem:s0+$0x9600]  }
0x5f: {  	v8 =	vld [tilespmem:s0+$0xC800]  }
0x60: {  	v9 =	vld [tilespmem:s0+$0x9610]  }
0x61: {  	v11 =	vld [tilespmem:s0+$0xC810]  }
0x62: {  	v12 =	vld [tilespmem:s0+$0x9620]  }
0x63: {  	v4 =	vadd.f32 v4, v10;
	v13 =	vld [tilespmem:s0+$0xC820]  }
0x64: {  	v8 =	vadd.f32 v8, v10;
	v10 =	vld [tilespmem:s0+$0x9630]  }
0x65: {  	[tilespmem:s0+$0x9600] =	vst v4;
	v4 =	vadd.f32 v9, v3;
	v9 =	vld [tilespmem:s0+$0xC830]  }
0x66: {  	[tilespmem:s0+$0xC800] =	vst v8;
	v3 =	vadd.f32 v11, v3;
	v8 =	vld [tilespmem:s0+$0x9640]  }
0x67: {  	[tilespmem:s0+$0x9610] =	vst v4;
	v11 =	vadd.f32 v12, v5;
	v12 =	vld [tilespmem:s0+$0xC840]  }
.Ltmp2:
0x68: {  	[tilespmem:s0+$0xC810] =	vst v3;
	v5 =	vadd.f32 v13, v5;
	v4 =	vld [tilespmem:s0+$0x9650];
	(pc) =	sbr.rel @p0 .LBB2_3-.Ltmp2, $4  }
0x69: {  	[tilespmem:s0+$0x9620] =	vst v11;
	v10 =	vadd.f32 v10, v6;
	v3 =	vld [tilespmem:s0+$0xC850]  }
0x6a: {  	[tilespmem:s0+$0xC820] =	vst v5;
	v11 =	vadd.f32 v9, v6;
	v5 =	vld [tilespmem:s0+$0x9660]  }
0x6b: {  	[tilespmem:s0+$0x9630] =	vst v10;
	v9 =	vadd.f32 v8, v7;
	v6 =	vld [tilespmem:s0+$0xC860]  }
0x6c: {  	s2 =	sadd.s32 $0x200, s2;
	[tilespmem:s0+$0xC830] =	vst v11;
	v8 =	vadd.f32 v12, v7;
	v7 =	vld [tilespmem:s0+$0x9670]  }
0x6d: {  	[tilespmem:s0+$0x9640] =	vst v9;
	v4 =	vadd.f32 v4, v2;
	v9 =	vld [tilespmem:s0+$0xC870]  }
0x6e: {  	[tilespmem:s0+$0xC840] =	vst v8;
	v2 =	vadd.f32 v3, v2  }
0x6f: {  	[tilespmem:s0+$0x9650] =	vst v4;
	v3 =	vadd.f32 v5, v1  }
0x70: {  	[tilespmem:s0+$0xC850] =	vst v2;
	v1 =	vadd.f32 v6, v1  }
0x71: {  	[tilespmem:s0+$0x9660] =	vst v3;
	v2 =	vadd.f32 v7, v0  }
0x72: {  	s2 =	sadd.s32 s4, s31;
	[tilespmem:s0+$0xC860] =	vst v1;
	v0 =	vadd.f32 v9, v0  }
0x73: {  	s2 =	sshll.u32 s2, $0x4;
	[tilespmem:s0+$0x9670] =	vst v2  }
0x74: {  	s10 =	sadd.s32 s6, s2;
	[tilespmem:s0+$0xC870] =	vst v0  }
0x75: {  	[hbm4b:s10+s24] =	stream.strided.scatter [tilespmem:s12], [sflag:$0x3], $0x6400, s11, s24, $0x38;
	[tilespmem:$0x15E00] =	vst v63  }
0x76: {  	_ =	swait.ge [sflag:s25], $0x2000  }
0x77: {  	[sflag:s25] =	ssyncset.done $0x0  }
0x78: {  	[sflag:s25] =	ssyncadd.s32 $0xFFFFE000  }
0x79: {  	_ =	swait.ge [sflag:s25], $0x2000  }
0x7a: {  	[sflag:s25] =	ssyncset.done $0x0  }
0x7b: {  	[sflag:s25] =	ssyncadd.s32 $0xFFFFE000  }
0x7c: {  	_ =	swait.ge [sflag:s25], $0x1200  }
0x7d: {  	[sflag:s25] =	ssyncset.done $0x0  }
0x7e: {  	[sflag:s25] =	ssyncadd.s32 $0xFFFFEE00  }
0x7f: {  	_ =	swait.ge [sflag:s25], $0x1200  }
0x80: {  	[sflag:s25] =	ssyncset.done $0x0  }
0x81: {  	s0 =	simm.s32 $0x0;
	[sflag:s25] =	ssyncadd.s32 $0xFFFFEE00  }
0x82: {  	v3 =	vld [tilespmem:s0+$0x6400]  }
0x83: {  	v4 =	vld [tilespmem:s0+$0x6410]  }
0x84: {  	v5 =	vld [tilespmem:s0+$0x6420]  }
0x85: {  	v6 =	vld [tilespmem:s0+$0x6430]  }
0x86: {  	v7 =	vld [tilespmem:s0+$0x6440]  }
0x87: {  	v2 =	vld [tilespmem:s0+$0x6450]  }
0x88: {  	v1 =	vld [tilespmem:s0+$0x6460]  }
0x89: {  	v0 =	vld [tilespmem:s0+$0x6470]  }
0x8a: {  	v8 =	vld [tilespmem:s0+$0xFA00]  }
0x8b: {  	v9 =	vld [tilespmem:s0+$0x12C00]  }
0x8c: {  	v10 =	vld [tilespmem:s0+$0xFA10]  }
0x8d: {  	v11 =	vld [tilespmem:s0+$0x12C10]  }
0x8e: {  	v12 =	vld [tilespmem:s0+$0xFA20]  }
0x8f: {  	v13 =	vld [tilespmem:s0+$0x12C20];
	v8 =	vadd.f32 v8, v3  }
0x90: {  	v14 =	vld [tilespmem:s0+$0xFA30];
	v3 =	vadd.f32 v9, v3  }
0x91: {  	v9 =	vadd.f32 v10, v4;
	[tilespmem:s0+$0xFA00] =	vst v8;
	v8 =	vld [tilespmem:s0+$0x12C30]  }
0x92: {  	v10 =	vld [tilespmem:s0+$0xFA40];
	[tilespmem:s0+$0x12C00] =	vst v3;
	v3 =	vadd.f32 v11, v4  }
0x93: {  	[tilespmem:s0+$0xFA10] =	vst v9;
	v11 =	vld [tilespmem:s0+$0x12C40];
	v9 =	vadd.f32 v12, v5  }
0x94: {  	v4 =	vld [tilespmem:s0+$0xFA50];
	v5 =	vadd.f32 v13, v5;
	[tilespmem:s0+$0x12C10] =	vst v3  }
0x95: {  	[tilespmem:s0+$0xFA20] =	vst v9;
	v3 =	vld [tilespmem:s0+$0x12C50];
	v9 =	vadd.f32 v14, v6  }
0x96: {  	[tilespmem:s0+$0x12C20] =	vst v5;
	v5 =	vld [tilespmem:s0+$0xFA60];
	v8 =	vadd.f32 v8, v6  }
0x97: {  	[tilespmem:s0+$0xFA30] =	vst v9;
	v9 =	vadd.f32 v10, v7;
	v6 =	vld [tilespmem:s0+$0x12C60]  }
0x98: {  	s2 =	simm.s32 $0x200;
	[tilespmem:s0+$0x12C30] =	vst v8;
	v8 =	vadd.f32 v11, v7;
	v7 =	vld [tilespmem:s0+$0xFA70]  }
.LBB2_5:
0x99: {  	s10 =	sshra.s32 s2, $0x2;
	p0 =	sne.s32 s2, $0xC600;
	[tilespmem:s0+$0xFA40] =	vst v9;
	v4 =	vadd.f32 v4, v2;
	v9 =	vld [tilespmem:s0+$0x12C70]  }
0x9a: {  	v10 =	vld [tilespmem:s10+$0x6400];
	[tilespmem:s0+$0x12C40] =	vst v8;
	v2 =	vadd.f32 v3, v2  }
0x9b: {  	v3 =	vld [tilespmem:s10+$0x6410];
	[tilespmem:s0+$0xFA50] =	vst v4;
	v4 =	vadd.f32 v5, v1  }
0x9c: {  	v5 =	vld [tilespmem:s10+$0x6420];
	[tilespmem:s0+$0x12C50] =	vst v2;
	v1 =	vadd.f32 v6, v1  }
0x9d: {  	v6 =	vld [tilespmem:s10+$0x6430];
	[tilespmem:s0+$0xFA60] =	vst v4;
	v4 =	vadd.f32 v7, v0  }
0x9e: {  	v7 =	vld [tilespmem:s10+$0x6440];
	[tilespmem:s0+$0x12C60] =	vst v1;
	v0 =	vadd.f32 v9, v0  }
0x9f: {  	v2 =	vld [tilespmem:s10+$0x6450];
	[tilespmem:s0+$0xFA70] =	vst v4  }
0xa0: {  	v1 =	vld [tilespmem:s10+$0x6460];
	[tilespmem:s0+$0x12C70] =	vst v0;
	s0 =	smov.u32 s10  }
0xa1: {  	v0 =	vld [tilespmem:s0+$0x6470]  }
0xa2: {  	v4 =	vld [tilespmem:s0+$0xFA00]  }
0xa3: {  	v8 =	vld [tilespmem:s0+$0x12C00]  }
0xa4: {  	v9 =	vld [tilespmem:s0+$0xFA10]  }
0xa5: {  	v11 =	vld [tilespmem:s0+$0x12C10]  }
0xa6: {  	v12 =	vld [tilespmem:s0+$0xFA20]  }
0xa7: {  	v4 =	vadd.f32 v4, v10;
	v13 =	vld [tilespmem:s0+$0x12C20]  }
0xa8: {  	v8 =	vadd.f32 v8, v10;
	v10 =	vld [tilespmem:s0+$0xFA30]  }
0xa9: {  	[tilespmem:s0+$0xFA00] =	vst v4;
	v4 =	vadd.f32 v9, v3;
	v9 =	vld [tilespmem:s0+$0x12C30]  }
0xaa: {  	[tilespmem:s0+$0x12C00] =	vst v8;
	v3 =	vadd.f32 v11, v3;
	v8 =	vld [tilespmem:s0+$0xFA40]  }
0xab: {  	[tilespmem:s0+$0xFA10] =	vst v4;
	v11 =	vadd.f32 v12, v5;
	v12 =	vld [tilespmem:s0+$0x12C40]  }
.Ltmp3:
0xac: {  	[tilespmem:s0+$0x12C10] =	vst v3;
	v5 =	vadd.f32 v13, v5;
	v4 =	vld [tilespmem:s0+$0xFA50];
	(pc) =	sbr.rel @p0 .LBB2_5-.Ltmp3, $4  }
0xad: {  	[tilespmem:s0+$0xFA20] =	vst v11;
	v10 =	vadd.f32 v10, v6;
	v3 =	vld [tilespmem:s0+$0x12C50]  }
0xae: {  	[tilespmem:s0+$0x12C20] =	vst v5;
	v11 =	vadd.f32 v9, v6;
	v5 =	vld [tilespmem:s0+$0xFA60]  }
0xaf: {  	[tilespmem:s0+$0xFA30] =	vst v10;
	v9 =	vadd.f32 v8, v7;
	v6 =	vld [tilespmem:s0+$0x12C60]  }
0xb0: {  	s2 =	sadd.s32 $0x200, s2;
	[tilespmem:s0+$0x12C30] =	vst v11;
	v8 =	vadd.f32 v12, v7;
	v7 =	vld [tilespmem:s0+$0xFA70]  }
0xb1: {  	[tilespmem:s0+$0xFA40] =	vst v9;
	v4 =	vadd.f32 v4, v2;
	v58 =	vld [tilespmem:s0+$0x12C70]  }
0xb2: {  	[tilespmem:s0+$0x12C40] =	vst v8;
	v59 =	vadd.f32 v3, v2  }
0xb3: {  	[tilespmem:s0+$0xFA50] =	vst v4;
	v60 =	vadd.f32 v5, v1  }
0xb4: {  	[tilespmem:s0+$0x12C50] =	vst v59;
	v61 =	vadd.f32 v6, v1  }
0xb5: {  	s1 =	sadd.s32 s4, s1;
	[tilespmem:s0+$0xFA60] =	vst v60;
	v62 =	vadd.f32 v7, v0  }
0xb6: {  	s1 =	sshll.u32 s1, $0x4;
	[tilespmem:s0+$0x12C60] =	vst v61;
	v63 =	vadd.f32 v58, v0  }
0xb7: {  	p0 =	seq.s32 s30, $0x1F;
	s1 =	sand.u32 $0x1FFFFF00, s1;
	[tilespmem:s0+$0xFA70] =	vst v62  }
.Ltmp4:
0xb8: {  	s10 =	sadd.s32 s6, s1;
	[tilespmem:s0+$0x12C70] =	vst v63;
	(pc) =	sbr.rel @p0 .LBB2_8-.Ltmp4, $4  }
0xb9: {  	[hbm4b:s10+s24] =	stream.strided.scatter [tilespmem:s19], [sflag:$0x4], $0x6400, s11, s24, $0x38;
	[tilespmem:$0x15E00] =	vst v63  }
0xba: {  	_ =	swait.ge [sflag:s26], $0x6400  }
0xbb: {  	[sflag:s26] =	ssyncset.done $0x0  }
0xbc: {  	[sflag:s26] =	ssyncadd.s32 $0xFFFF9C00  }
0xbd: {  	s0 =	sadd.s32 $0x320, s31  }
0xbe: {  	[tilespmem:s12], [sflag:$0x1] =	stream.indirect.gather [hbm4b:s5+s11], $0x40, s0, s11, $0xb8;
	[tilespmem:$0x15E00] =	vst v63  }
0xbf: {  	s2 =	sadd.s32 $0x3A0, s31  }
0xc0: {  	[tilespmem:s13], [sflag:$0x1] =	stream.indirect.gather [hbm4b:s5+s11], $0x40, s2, s11, $0xb8;
	[tilespmem:$0x15E00] =	vst v63  }
.Ltmp5:
0xc1: {  	_ = 	snop;
	(pc) =	sbr.rel .LBB2_2-.Ltmp5, $4  }
0xc2: {  	s10 =	sadd.s32 $0x420, s31  }
0xc3: {  	[tilespmem:s16], [sflag:$0x1] =	stream.indirect.gather [hbm4b:s5+s14], $0x40, s10, s14, $0xb8;
	[tilespmem:$0x15E00] =	vst v63  }
0xc4: {  	s31 =	sadd.s32 $0x468, s31;
	s30 =	sadd.s32 $0x1, s30  }
0xc5: {  	[tilespmem:s18], [sflag:$0x1] =	stream.indirect.gather [hbm4b:s5+s14], $0x40, s31, s14, $0xb8;
	[tilespmem:$0x15E00] =	vst v63  }
.LBB2_9:
0xc6: {  	_ =	sfence.sel $0x180000  }
0xc7: {  	[bflag:$0x0] =	sbarrier.arrive $0xFFFF  }
0xc8: {  	_ =	strace $0x90000047  }
0xc9: {  	s0 =	stileid.u32;
	[bflag:$0x2] =	sbarrier.arrive $0xFFFF  }
0xca: {  	p0 =	sne.s32 s0, $0x0;
	s0 =	rddreg [dreg:$0x3]  }
0xcb: {  	s0 =	sadd.s32 @!p0 $0x100000, s0  }
0xcc: {  	[sflag:s0] =	ssyncadd.tile.s32 @!p0 $0x1;
	_ =	shalt  }
.Lfunc_end2:
_tile_overlayer_lowered:
.L_overlay_start_2:
0xcd: {  	(tag) =	ssettag $0x2  }
0xce: {  	s0 =	rddreg [dreg:$0x0];
	s2 =	stileid.u32  }
0xcf: {  	s1 =	rddreg [dreg:$0x1];
	p0 =	sne.s32 s2, $0x0  }
0xd0: {  	s3 =	rddreg [dreg:$0x2];
	[bflag:$0x3] =	sbarrier.arrive $0xFFFF;
	s2 =	simm.s32 @!p0 $0x1C05  }
0xd1: {  	[timem:s3], [sflag:s2] =	dma.local @!p0 [hbm:s0], s1  }
0xd2: {  	s0 =	simm.s32 @!p0 $0x5  }
0xd3: {  	_ =	swait.ge @!p0 [sflag:s0], s1  }
0xd4: {  	s1 =	ssub.s32 @!p0 $0x0, s1;
	[sflag:s0] =	ssyncset.done @!p0 $0x0  }
0xd5: {  	[sflag:s0] =	ssyncadd.s32 @!p0 s1  }
0xd6: {  	[bflag:$0x3] =	sbarrier.arrive $0xFFFF  }
0xd7: {  	_ =	shalt  }

// kernel: sparse-core-data-format-call.cloned.1.call-start
scs
called_computation_lowered:
.L_overlay_start_0:
0x0: {  	s2 =	sld [smem:$0x3FD9]  }
0x1: {  	s3 =	sld [smem:$0x3FFE];
	_ =	sdelay $0x1  }
0x2: {  	s1 =	srdreg.scid  }
0x3: {  	s0 =	sand.u32 $0x1, s1  }
0x4: {  	s15 =	sshll.u32 s0, $0xA;
	s2 =	sadd.s32 s3, s2  }
0x5: {  	s2 =	sadd.s32 s2, s15  }
0x6: {  	[smem:$0x3FC4] =	sst s2  }
0x7: {  	_ = 	snop  }
0x8: {  	s2 =	sld [smem:$0x3FD0];
	_ =	sdelay $0x2  }
0x9: {  	s16 =	simm.s32 $0xA;
	s4 =	simm.s32 $0x10  }
0xa: {  	[smem:s4], [sflag:s16] =	dma.local [hbm:s2], $0x1  }
0xb: {  	_ =	swait.eq [sflag:s16], $0x1  }
0xc: {  	[sflag:s16] =	ssyncset.done $0x0  }
0xd: {  	[sflag:s16] =	ssyncadd.s32 $0xFFFFFFFF  }
0xe: {  	s17 =	sld [smem:$0x10];
	(tm) =	ssettm $0x1  }
0xf: {  	s18 =	sld [smem:$0x3FFB];
	_ =	sdelay $0x3  }
0x10: {  	_ =	strace s18  }
0x11: {  	s3 =	sld [smem:$0x3FFC];
	_ =	sdelay $0x3  }
0x12: {  	_ =	strace s3  }
0x13: {  	s3 =	sld [smem:$0x3FFD];
	_ =	sdelay $0x3  }
0x14: {  	_ =	strace s3  }
0x15: {  	_ =	strace $0x8FFFFFFF  }
0x16: {  	s19 =	sld [smem:$0x3FDB];
	_ =	sdelay $0x1  }
0x17: {  	s20 =	simm.s32 $_scs_section_size  }
0x18: {  	s5 =	simm.s32 $_size__tile_overlayer_lowered;
	s6 =	simm.s32 $_tile_overlayer_lowered  }
0x19: {  	s23 =	simm.s32 $0x1BFF;
	s22 =	sshll.u32 s6, $0x1;
	s3 =	sadd.s32 s20, s19  }
0x1a: {  	s7 =	simm.s32 $0x0;
	s21 =	sshll.u32 s5, $0x1;
	s5 =	sadd.s32 s22, s3  }
0x1b: {  	[timem:s7], [sflag:s23] =	dma.local [hbm:s5], s21  }
0x1c: {  	_ =	swait.ge [sflag:s23], s21  }
0x1d: {  	s4 =	ssub.s32 $0x0, s21;
	[sflag:s23] =	ssyncset.done $0x0  }
0x1e: {  	[sflag:s23] =	ssyncadd.s32 s4;
	_ =	sdelay $0x1  }
0x1f: {  	s24 =	simm.s32 $0x1B8B  }
0x20: {  	_ =	swait.ge [sflag:s24], $0x1  }
0x21: {  	[sflag:s24] =	ssyncset.done $0x0  }
0x22: {  	s26 =	simm.s32 $0x1B8E;
	s25 =	sld [smem:$0x3FFE];
	[sflag:s24] =	ssyncadd.s32 $0xFFFFFFFF  }
0x23: {  	s27 =	simm.s32 $execute0_lowered;
	[smem:$0x3FD2] =	sst s26  }
0x24: {  	s5 =	sshll.u32 s27, $0x1;
	_ =	strace $0x80000049;
	[dreg:$0x1] =	wrdreg $0xFFFFFFFF  }
0x25: {  	s28 =	simm.s32 $_size_execute0_lowered;
	s3 =	sadd.s32 s3, s5;
	[dreg:$0x0] =	wrdreg $0x0  }
0x26: {  	s5 =	sshll.u32 s28, $0x1;
	[dreg:$0x2] =	wrdreg s3  }
0x27: {  	[dreg:$0x3] =	wrdreg s5  }
0x28: {  	[dreg:$0x4] =	wrdreg $0xC0  }
0x29: {  	_ =	task [dreg:s7], $0x5FFFF  }
0x2a: {  	[dreg:$0x1] =	wrdreg $0xFFFFFFFF  }
0x2b: {  	[dreg:$0x0] =	wrdreg $0x60  }
0x2c: {  	[dreg:$0x2] =	wrdreg s25  }
0x2d: {  	[dreg:$0x3] =	wrdreg s17  }
0x2e: {  	[dreg:$0x4] =	wrdreg $0x9  }
0x2f: {  	_ =	task.clear_ibuf [dreg:s7], $0x5FFFF;
	_ =	strace $0x90000049  }
0x30: {  	s29 =	simm.s32 $0x9;
	_ =	strace $0x8000004B  }
0x31: {  	_ =	swait.ge [sflag:s29], $0x1  }
0x32: {  	[sflag:s29] =	ssyncadd.s32 $0xFFFFFFFF  }
0x33: {  	_ =	strace $0x9000004B  }
0x34: {  	_ =	sfence  }
0x35: {  	s30 =	sld [smem:$0x0];
	_ =	sdelay $0x2  }
0x36: {  	s31 =	sshll.u32 s1, $0xD;
	s1 =	sshrl.u32 s1, $0x2  }
0x37: {  	s3 =	sand.u32 $0x4000, s31;
	s1 =	sadd.s32 s1, s30  }
0x38: {  	s0 =	sor.u32 s3, s0;
	s1 =	sshll.u32 s1, $0x11  }
0x39: {  	s0 =	sor.u32 s1, s0  }
0x3a: {  	s0 =	sadd.s32 $0x8F2B, s0  }
0x3b: {  	[sflag:s0] =	ssyncadd.remote.s32 $0x1  }
0x3c: {  	_ =	sfence.sel $0xFFFF  }
0x3d: {  	[dreg:$0x0] =	wrdreg $0xFFFFFFFF;
	(pc) =	sbr.abs _section_cstart, $3  }
0x3e: {  	[dreg:$0x1] =	wrdreg $0xFFFFFFFF  }
0x3f: {  	_ =	task.clear_ibuf [dreg:s7], $0x2FFFF;
	_ =	strace $0x9FFFFFFF  }
0x40: {  	(tm) =	ssettm $0x7FFFFFFF  }
0x41: {  	_ =	shalt  }
tec
execute0_lowered:
.L_overlay_start_1:
0x0: {  	(tag) =	ssettag $0x1  }
0x1: {  	s0 =	srdreg.scid  }
0x2: {  	s1 =	sshll.u32 s0, $0x4  }
0x3: {  	s0 =	stileid.u32;
	s1 =	sand.u32 $0x10, s1  }
0x4: {  	s1 =	sor.u32 s0, s1  }
0x5: {  	s6 =	rddreg [dreg:$0x0];
	s4 =	simm.s32 $0x1;
	s2 =	sshll.u32 s1, $0x7  }
0x6: {  	s7 =	simm.s32 $0x2;
	s12 =	simm.s32 $0x0;
	s1 =	ssub.s32 $0x1000, s2  }
0x7: {  	s8 =	simm.s32 $0x8000;
	s13 =	simm.s32 $0x0;
	s3 =	sand.u32 $0xF80, s1  }
0x8: {  	s9 =	simm.s32 $0x0;
	s5 =	sshrl.u32 s1, $0xC;
	p0 =	sne.s32 s3, $0x0  }
.Ltmp0:
0x9: {  	s1 =	rddreg [dreg:$0x2];
	s4 =	simm.s32 @!p0 $0x0;
	(pc) =	sbr.rel .LBB1_1-.Ltmp0, $4  }
0xa: {  	s11 =	simm.s32 $0x0;
	s3 =	rddreg [dreg:$0x1];
	s5 =	sadd.s32 s4, s5  }
0xb: {  	_ =	strace $0x8000004A;
	s4 =	simm.s32 $0x1;
	s5 =	smul.u32 $0xC8, s5  }
0xc: {  	s6 =	sadd.s32 $0xE00, s6;
	s10 =	smov.u32 s2;
	[sflag:s4] =	ssyncpa.u1 $0x0  }
0xd: {  	p0 =	por $0x0, $0x0;
	[sflag:s7] =	ssyncpa.u1 $0x0;
	s7 =	sor.u32 $0x1, s5  }
.LBB1_4:
0xe: {  	s16 =	sshll.u32 s13, $0x3;
	s17 =	sand.u32 $0x78, s13  }
0xf: {  	s30 =	sand.u32 $0x7E00, s13;
	s12 =	sshll.u32 s12, $0xF;
	s16 =	sand.u32 $0xC00, s16  }
0x10: {  	[tilespmem:s15+$0x810 ss:$0x81] =	vst.msk $0xffff, v2;
	s31 =	sand.u32 $0x7, s13;
	s16 =	sor.u32 s17, s16;
	s17 =	sadd.s32 s3, s30  }
0x11: {  	[tilespmem:s15+$0x1020 ss:$0x81] =	vst.msk $0xffff, v0;
	s13 =	sshll.u32 s31, $0x12;
	s12 =	sadd.s32 s12, s17;
	s16 =	sshrl.u32 s16, $0x3  }
0x12: {  	[tilespmem:s15+$0x0 ss:$0x81] =	vst.msk $0xffff, v1;
	s13 =	sor.u32 $0x400, s13;
	s12 =	sadd.s32 s16, s12  }
0x13: {  	[hbm4b:s12+s13] =	stream.strided.scatter [tilespmem:s14], [sflag:$0x2], $0x2000, s8, s13, $0x20;
	[tilespmem:$0x8080] =	vst v63  }
.LBB1_5:
0x14: {  	s14 =	sadd.s32 $0x1, s9  }
0x15: {  	s12 =	sadd.s32 $0x1000, s10;
	s16 =	smov.u32 s10;
	p2 =	sgt.s32 s14, $0xC7  }
0x16: {  	s16 =	smov.u32 @p2 s12  }
0x17: {  	s14 =	simm.s32 @p2 $0x0;
	p2 =	sgt.s32 s16, $0xFFF  }
0x18: {  	s16 =	smov.u32 @p2 s2;
	p2 =	sne.s32 s11, s7  }
.Ltmp1:
0x19: {  	p1 =	slt.u32 s11, $0x2;
	(pc) =	sbr.rel @!p2 .LBB1_6-.Ltmp1, $4  }
0x1a: {  	s15 =	simm.s32 @!p1 $0x2  }
0x1b: {  	s13 =	smov.u32 s10;
	p0 =	por !p0, !p0;
	_ =	swait.ge @!p1 [sflag:s15], $0x2000  }
0x1c: {  	s12 =	smov.u32 s9;
	[sflag:s15] =	ssyncset.done @!p1 $0x0;
	s9 =	smov.u32 s14  }
0x1d: {  	s11 =	sadd.s32 $0x1, s11;
	[sflag:s15] =	ssyncadd.s32 @!p1 $0xFFFFE000;
	s10 =	smov.u32 s16  }
.LBB1_1:
0x1e: {  	p1 =	sge.u32 s11, s5  }
0x1f: {  	s14 =	sand.u32 @!p1 $0x1FFFFFF, s9  }
0x20: {  	s15 =	smulhi.u32 @!p1 $0x147AE15, s14;
	_ =	sdelay $0x1  }
0x21: {  	s15 =	smul.u32 @!p1 $0xC8, s15  }
0x22: {  	s16 =	sxor.u32 @!p1 $0xFFFFFFFF, s11;
	s17 =	smul.u32 @!p1 $0xC80, s10  }
0x23: {  	s31 =	sadd.s32 $0xFFFFFFFF, s11;
	s16 =	sshll.u32 @!p1 s16, $0xD;
	s14 =	ssub.s32 @!p1 s14, s15  }
0x24: {  	s15 =	sand.u32 @!p1 $0x2000, s16;
	s16 =	sadd.s32 @!p1 s6, s17;
	s14 =	sshll.u32 @!p1 s14, $0x4  }
0x25: {  	s17 =	simm.s32 @!p1 $0x6400;
	s14 =	sadd.s32 @!p1 s14, s16;
	s16 =	simm.s32 @!p1 $0x40  }
0x26: {  	[tilespmem:s15], [sflag:$0x1] =	stream.strided.gather @!p1 [hbm4b:s14+s16], $0x2000, s17, s16, $0x38;
	[tilespmem:$0x8080] =	vst v63  }
0x27: {  	p1 =	sge.u32 s31, s5  }
.Ltmp2:
0x28: {  	_ = 	snop;
	(pc) =	sbr.rel @p1 .LBB1_5-.Ltmp2, $1  }
0x29: {  	_ =	sdelay $0x3  }
0x2a: {  	s14 =	simm.s32 $0x1  }
0x2b: {  	_ =	swait.ge [sflag:s4], $0x2000;
	s14 =	simm.s32 @!p0 $0x0  }
0x2c: {  	[sflag:s4] =	ssyncset.done $0x0;
	s15 =	sshll.u32 s14, $0xD  }
0x2d: {  	[sflag:s4] =	ssyncadd.s32 $0xFFFFE000;
	s18 =	sor.u32 $0x20, s15  }
0x2e: {  	s14 =	smul.u32 $0x8100, s14;
	v3 =	vld [tilespmem:s18+$0x10]  }
0x2f: {  	s30 =	sand.u32 $0x1, s11;
	v2 =	vld [tilespmem:s18+$0xFFFFFFF0]  }
0x30: {  	s15 =	smul.u32 $0x8100, s30;
	s14 =	sshrl.u32 s14, $0x2;
	v0 =	vld [tilespmem:s18+$0x0]  }
0x31: {  	v1 =	vld [tilespmem:s18+$0xFFFFFFE0];
	s16 =	sor.u32 $0x4000, s14  }
0x32: {  	s31 =	sshrl.u32 s15, $0x2;
	s15 =	sadd.s32 $0x0, s16  }
0x33: {  	s17 =	simm.s32 $0x4;
	s18 =	sadd.s32 $0x40, s18;
	s14 =	sor.u32 $0x4000, s31;
	[tilespmem:s15+$0x1830 ss:$0x81] =	vst.msk $0xffff, v3  }
.LBB1_3:
0x34: {  	v3 =	vld [tilespmem:s18+$0x10];
	p1 =	sne.s32 s17, $0x1FC;
	[tilespmem:s15+$0x810 ss:$0x81] =	vst.msk $0xffff, v2;
	s19 =	smov.u32 s17;
	s17 =	sadd.s32 $0x4, s17  }
.Ltmp3:
0x35: {  	v2 =	vld [tilespmem:s18+$0xFFFFFFF0];
	[tilespmem:s15+$0x1020 ss:$0x81] =	vst.msk $0xffff, v0;
	(pc) =	sbr.rel @p1 .LBB1_3-.Ltmp3, $4  }
0x36: {  	v0 =	vld [tilespmem:s18+$0x0];
	[tilespmem:s15+$0x0 ss:$0x81] =	vst.msk $0xffff, v1  }
0x37: {  	s15 =	sshra.s32 s19, $0x2;
	v1 =	vld [tilespmem:s18+$0xFFFFFFE0]  }
0x38: {  	s15 =	sadd.s32 s15, s16  }
0x39: {  	s18 =	sadd.s32 $0x40, s18;
	[tilespmem:s15+$0x1830 ss:$0x81] =	vst.msk $0xffff, v3  }
.Ltmp4:
0x3a: {  	_ = 	snop;
	(pc) =	sbr.rel .LBB1_4-.Ltmp4, $1  }
0x3b: {  	_ =	sdelay $0x3  }
.LBB1_6:
0x3c: {  	_ =	sfence.sel $0x180000  }
0x3d: {  	s2 =	simm.s32 $0x1;
	[bflag:$0x0] =	sbarrier.arrive $0xFFFF  }
0x3e: {  	s31 =	simm.s32 $0x2;
	[sflag:s2] =	ssyncpa.u1 $0x1  }
0x3f: {  	[sflag:s31] =	ssyncpa.u1 $0x1  }
0x40: {  	p0 =	sne.s32 s0, $0x0;
	_ =	strace $0x9000004A  }
0x41: {  	s0 =	sadd.s32 @!p0 $0x100000, s1;
	[bflag:$0x2] =	sbarrier.arrive $0xFFFF  }
0x42: {  	[sflag:s0] =	ssyncadd.tile.s32 @!p0 $0x1;
	_ =	shalt  }
.Lfunc_end1:
_tile_overlayer_lowered:
.L_overlay_start_2:
0x43: {  	(tag) =	ssettag $0x2  }
0x44: {  	s0 =	rddreg [dreg:$0x0];
	s2 =	stileid.u32  }
0x45: {  	s1 =	rddreg [dreg:$0x1];
	p0 =	sne.s32 s2, $0x0  }
0x46: {  	s3 =	rddreg [dreg:$0x2];
	[bflag:$0x3] =	sbarrier.arrive $0xFFFF;
	s2 =	simm.s32 @!p0 $0x1C01  }
0x47: {  	[timem:s3], [sflag:s2] =	dma.local @!p0 [hbm:s0], s1  }
0x48: {  	s0 =	simm.s32 @!p0 $0x1  }
0x49: {  	_ =	swait.ge @!p0 [sflag:s0], s1  }
0x4a: {  	s1 =	ssub.s32 @!p0 $0x0, s1;
	[sflag:s0] =	ssyncset.done @!p0 $0x0  }
0x4b: {  	[sflag:s0] =	ssyncadd.s32 @!p0 s1  }
0x4c: {  	[bflag:$0x3] =	sbarrier.arrive $0xFFFF  }
0x4d: {  	_ =	shalt  }

</sc_bundles>
